<compile_context>
chip_gen: v7x
topology: tpu7x:2x2x1
jax: 0.10.2.dev20260603
libtpu: 0.0.44.dev20260713+nightly
codegen_flags: <defaults>
</compile_context>

<pallas_src>
import functools

import jax
import jax.numpy as jnp
from jax import lax
from jax.experimental import pallas as pl
from jax.experimental.pallas import tpu as pltpu
from jax.experimental.pallas import tpu_sc as plsc

B = 4096
L = 200
VOCAB = 100000
EMBED = 64
LANES = 16
CHUNK = 8
NCHUNK = L // CHUNK
NBUF = 4

NW = 32
SEQ_PER_W = B // NW


@functools.partial(
    pl.kernel,
    out_type=jax.ShapeDtypeStruct((B, EMBED), jnp.float32),
    mesh=plsc.VectorSubcoreMesh(core_axis_name="c", subcore_axis_name="s"),
    compiler_params=pltpu.CompilerParams(
        use_tc_tiling_on_sc=False, needs_layout_passes=False
    ),
    scratch_types=[
        pltpu.VMEM((SEQ_PER_W, L), jnp.int32),
        pltpu.VMEM((NBUF, L, EMBED), jnp.bfloat16),
        pltpu.VMEM((SEQ_PER_W, EMBED), jnp.float32),
        pltpu.SemaphoreType.DMA,
        pltpu.SemaphoreType.DMA,
        pltpu.SemaphoreType.DMA,
        pltpu.SemaphoreType.DMA,
    ],
)
def _embed_mean(ids_hbm, table_hbm, out_hbm, idx_v, rbuf, out_v,
                sem0, sem1, sem2, sem3):
    wid = lax.axis_index("s") * 2 + lax.axis_index("c")
    base = wid * SEQ_PER_W
    bufs = tuple(rbuf.at[b] for b in range(NBUF))
    sems = (sem0, sem1, sem2, sem3)

    pltpu.sync_copy(ids_hbm.at[pl.ds(base, SEQ_PER_W)], idx_v)

    def fire(b, s):
        row = jnp.minimum(s, SEQ_PER_W - 1)
        pltpu.async_copy(table_hbm.at[idx_v.at[row]], bufs[b], sems[b])

    def wait(b):
        pltpu.make_async_copy(table_hbm.at[pl.ds(0, L)], bufs[b], sems[b]).wait()

    for b in range(NBUF):
        fire(b, b)

    scale = jnp.float32(1.0 / L)
    iota = lax.iota(jnp.int32, LANES)
    cols = (2 * iota, 2 * iota + 1, 2 * iota + 32, 2 * iota + 33)

    def seq_step(b, s):
        wait(b)
        buf = bufs[b]

        def red(i, acc):
            l0 = i * CHUNK
            half = []
            for c in range(2):
                r = [buf[l0 + j, pl.ds(32 * c, 32)] for j in range(CHUNK)]
                while len(r) > 1:
                    r = [r[k] + r[k + 1] for k in range(0, len(r), 2)]
                half.append(r[0])
            u0a, u0b = plsc.unpack(half[0], format=plsc.PackFormat.INTERLEAVED)
            u1a, u1b = plsc.unpack(half[1], format=plsc.PackFormat.INTERLEAVED)
            return (acc[0] + u0a, acc[1] + u0b, acc[2] + u1a, acc[3] + u1b)

        acc = lax.fori_loop(
            0, NCHUNK, red,
            tuple(jnp.zeros((LANES,), jnp.float32) for _ in range(4)),
        )
        row_idx = iota * 0 + s
        for e in range(4):
            plsc.store_scatter(out_v, [row_idx, cols[e]], acc[e] * scale)
        fire(b, s + NBUF)

    def grp_body(g, carry):
        for b in range(NBUF):
            seq_step(b, NBUF * g + b)
        return carry

    lax.fori_loop(0, SEQ_PER_W // NBUF, grp_body, 0)
    for b in range(NBUF):
        wait(b)
    pltpu.sync_copy(out_v, out_hbm.at[pl.ds(base, SEQ_PER_W)])


def kernel(kmer_ids, table):
    table_bf = table.astype(jnp.bfloat16)
    return _embed_mean(kmer_ids, table_bf)

# --- scband reference (transcript-rebuilt; emitter-appended) ---
"""Pipeline reference for scband-skip-gram-embedder-40303973106304 (READ-ONLY COPY).

The authoritative reference and input builder live on the scoring server;
editing this copy changes nothing except your own understanding.
"""

import jax, jax.numpy as jnp
import numpy as np

B = 4096      # number of sequences
L = 200       # k-mers per sequence (len(seq) - gram_size + 1)
VOCAB = 100000  # k-mer vocabulary size (word2vec wv table rows)
EMBED = 64    # word2vec vector size


def setup_inputs(seed: int = 0) -> dict:
    key = jax.random.key(seed)
    k1, k2 = jax.random.split(key)
    # Each sequence is tokenized into L overlapping k-mers; here we represent
    # each k-mer directly by its integer id into the word2vec table.
    kmer_ids = jax.random.randint(k1, (B, L), 0, VOCAB, dtype=jnp.int32)
    # The learned word2vec embedding table (bio2vec.wv vectors).
    table = jax.random.normal(k2, (VOCAB, EMBED), dtype=jnp.float32)
    return {"kmer_ids": kmer_ids, "table": table}


def reference(kmer_ids, table):
    # embed_seq: stack k-mer vectors -> [L, E], transpose -> [E, L].
    # reduce=True: mean over the k-mer axis (dim=1 after transpose) -> [E].
    # embed_seqs: stack over the batch -> [B, E].
    emb = jnp.take(table, kmer_ids, axis=0)   # [B, L, E] gather
    # transpose to [B, E, L] then mean over last axis == mean over L
    kmer_matrix = jnp.transpose(emb, (0, 2, 1))  # [B, E, L]
    out = kmer_matrix.mean(axis=2)               # [B, E]
    return out

if __name__ == "__main__":
    import jax
    _d = setup_inputs()
    print(jax.jit(kernel)(*tuple(_d.values())))

</pallas_src>

<mosaic_0001>
#map = affine_map<(d0, d1) -> (0, 0)>
module attributes {stable_mosaic.version = 14 : i64} {
  func.func @_embed_mean(%arg0: i32, %arg1: i32, %arg2: memref<4096x200xi32, #tpu.memory_space<hbm>>, %arg3: memref<100000x64xbf16, #tpu.memory_space<hbm>>, %arg4: memref<4096x64xf32, #tpu.memory_space<hbm>>, %arg5: memref<128x200xi32, #tpu.memory_space<vmem>>, %arg6: memref<4x200x64xbf16, #tpu.memory_space<vmem>>, %arg7: memref<128x64xf32, #tpu.memory_space<vmem>>, %arg8: memref<!tpu.dma_semaphore, #tpu.memory_space<semaphore_mem>>, %arg9: memref<!tpu.dma_semaphore, #tpu.memory_space<semaphore_mem>>, %arg10: memref<!tpu.dma_semaphore, #tpu.memory_space<semaphore_mem>>, %arg11: memref<!tpu.dma_semaphore, #tpu.memory_space<semaphore_mem>>) attributes {dimension_semantics = [#tpu.dimension_semantics<core_parallel>, #tpu.dimension_semantics<subcore_parallel>], iteration_bounds = array<i64: 2, 16>, scalar_prefetch = 0 : i64, scratch_operands = 7 : i64, tpu.core_type = #tpu.core_type<sc_vector_subcore>, window_params = [{transform_indices = #map}, {transform_indices = #map}, {transform_indices = #map}]} {
    %mul3A = arith.constant 2 : i32
    %mul3A_0 = arith.muli %arg1, %mul3A : i32
    %add3A = arith.addi %mul3A_0, %arg0 : i32
    %mul3A_1 = arith.constant 128 : i32
    %mul3A_2 = arith.muli %add3A, %mul3A_1 : i32
    "tpu.region"() ({
      %run_scoped3A = tpu.sem_alloc : memref<!tpu.dma_semaphore, #tpu.memory_space<semaphore_mem>>
      %dma_start3A_147 = arith.constant 0 : i32
      %dma_start3A_148 = tpu.memref_slice %arg2[%mul3A_2, %dma_start3A_147] : memref<4096x200xi32, #tpu.memory_space<hbm>> -> memref<128x200xi32, #tpu.memory_space<hbm>>
      %dma_start3A_149 = arith.constant 0 : i32
      %dma_start3A_150 = tpu.memref_slice %arg2[%mul3A_2, %dma_start3A_149] : memref<4096x200xi32, #tpu.memory_space<hbm>> -> memref<128x200xi32, #tpu.memory_space<hbm>>
      tpu.enqueue_dma source(%dma_start3A_150 : memref<128x200xi32, #tpu.memory_space<hbm>>) target(%arg5 : memref<128x200xi32, #tpu.memory_space<vmem>>) target_semaphore(%run_scoped3A : memref<!tpu.dma_semaphore, #tpu.memory_space<semaphore_mem>>)
      %dma_wait3A_151 = arith.constant 0 : i32
      %dma_wait3A_152 = tpu.memref_slice %arg2[%mul3A_2, %dma_wait3A_151] : memref<4096x200xi32, #tpu.memory_space<hbm>> -> memref<128x200xi32, #tpu.memory_space<hbm>>
      %dma_wait3A_153 = arith.constant 0 : i32
      %dma_wait3A_154 = tpu.memref_slice %arg2[%mul3A_2, %dma_wait3A_153] : memref<4096x200xi32, #tpu.memory_space<hbm>> -> memref<128x200xi32, #tpu.memory_space<hbm>>
      tpu.wait_dma2 semaphore(%run_scoped3A : memref<!tpu.dma_semaphore, #tpu.memory_space<semaphore_mem>>) src(%dma_wait3A_154 : memref<128x200xi32, #tpu.memory_space<hbm>>) dst(%arg5 : memref<128x200xi32, #tpu.memory_space<vmem>>)
      tpu.yield
    }) : () -> ()
    %min3A = arith.constant 0 : i32
    %min3A_3 = arith.constant 127 : i32
    %min3A_4 = arith.minsi %min3A, %min3A_3 : i32
    %dma_start3A = arith.constant 0 : i32
    %dma_start3A_5 = arith.constant 0 : i32
    %dma_start3A_6 = arith.constant 0 : i32
    %dma_start3A_7 = tpu.memref_slice %arg6[%dma_start3A, %dma_start3A_5, %dma_start3A_6] : memref<4x200x64xbf16, #tpu.memory_space<vmem>> -> memref<1x200x64xbf16, #tpu.memory_space<vmem>>
    %dma_start3A_8 = tpu.memref_squeeze %dma_start3A_7 : memref<1x200x64xbf16, #tpu.memory_space<vmem>> -> memref<200x64xbf16, #tpu.memory_space<vmem>>
    %dma_start3A_9 = arith.constant 0 : i32
    %dma_start3A_10 = tpu.memref_slice %arg5[%min3A_4, %dma_start3A_9] : memref<128x200xi32, #tpu.memory_space<vmem>> -> memref<1x200xi32, #tpu.memory_space<vmem>>
    %dma_start3A_11 = tpu.memref_squeeze %dma_start3A_10 : memref<1x200xi32, #tpu.memory_space<vmem>> -> memref<200xi32, #tpu.memory_space<vmem>>
    %dma_start3A_12 = arith.constant 0 : i32
    %dma_start3A_13 = arith.constant 0 : i32
    %dma_start3A_14 = tpu.memref_slice %arg3[%dma_start3A_12, %dma_start3A_13] : memref<100000x64xbf16, #tpu.memory_space<hbm>> -> memref<100000x64xbf16, #tpu.memory_space<hbm>>
    tpu.enqueue_indirect_dma source(%dma_start3A_14 : memref<100000x64xbf16, #tpu.memory_space<hbm>>) target(%dma_start3A_8 : memref<200x64xbf16, #tpu.memory_space<vmem>>) offsets(%dma_start3A_11 : memref<200xi32, #tpu.memory_space<vmem>>) semaphore(%arg8 : memref<!tpu.dma_semaphore, #tpu.memory_space<semaphore_mem>>)
    %min3A_15 = arith.constant 1 : i32
    %min3A_16 = arith.constant 127 : i32
    %min3A_17 = arith.minsi %min3A_15, %min3A_16 : i32
    %dma_start3A_18 = arith.constant 1 : i32
    %dma_start3A_19 = arith.constant 0 : i32
    %dma_start3A_20 = arith.constant 0 : i32
    %dma_start3A_21 = tpu.memref_slice %arg6[%dma_start3A_18, %dma_start3A_19, %dma_start3A_20] : memref<4x200x64xbf16, #tpu.memory_space<vmem>> -> memref<1x200x64xbf16, #tpu.memory_space<vmem>>
    %dma_start3A_22 = tpu.memref_squeeze %dma_start3A_21 : memref<1x200x64xbf16, #tpu.memory_space<vmem>> -> memref<200x64xbf16, #tpu.memory_space<vmem>>
    %dma_start3A_23 = arith.constant 0 : i32
    %dma_start3A_24 = tpu.memref_slice %arg5[%min3A_17, %dma_start3A_23] : memref<128x200xi32, #tpu.memory_space<vmem>> -> memref<1x200xi32, #tpu.memory_space<vmem>>
    %dma_start3A_25 = tpu.memref_squeeze %dma_start3A_24 : memref<1x200xi32, #tpu.memory_space<vmem>> -> memref<200xi32, #tpu.memory_space<vmem>>
    %dma_start3A_26 = arith.constant 0 : i32
    %dma_start3A_27 = arith.constant 0 : i32
    %dma_start3A_28 = tpu.memref_slice %arg3[%dma_start3A_26, %dma_start3A_27] : memref<100000x64xbf16, #tpu.memory_space<hbm>> -> memref<100000x64xbf16, #tpu.memory_space<hbm>>
    tpu.enqueue_indirect_dma source(%dma_start3A_28 : memref<100000x64xbf16, #tpu.memory_space<hbm>>) target(%dma_start3A_22 : memref<200x64xbf16, #tpu.memory_space<vmem>>) offsets(%dma_start3A_25 : memref<200xi32, #tpu.memory_space<vmem>>) semaphore(%arg9 : memref<!tpu.dma_semaphore, #tpu.memory_space<semaphore_mem>>)
    %min3A_29 = arith.constant 2 : i32
    %min3A_30 = arith.constant 127 : i32
    %min3A_31 = arith.minsi %min3A_29, %min3A_30 : i32
    %dma_start3A_32 = arith.constant 2 : i32
    %dma_start3A_33 = arith.constant 0 : i32
    %dma_start3A_34 = arith.constant 0 : i32
    %dma_start3A_35 = tpu.memref_slice %arg6[%dma_start3A_32, %dma_start3A_33, %dma_start3A_34] : memref<4x200x64xbf16, #tpu.memory_space<vmem>> -> memref<1x200x64xbf16, #tpu.memory_space<vmem>>
    %dma_start3A_36 = tpu.memref_squeeze %dma_start3A_35 : memref<1x200x64xbf16, #tpu.memory_space<vmem>> -> memref<200x64xbf16, #tpu.memory_space<vmem>>
    %dma_start3A_37 = arith.constant 0 : i32
    %dma_start3A_38 = tpu.memref_slice %arg5[%min3A_31, %dma_start3A_37] : memref<128x200xi32, #tpu.memory_space<vmem>> -> memref<1x200xi32, #tpu.memory_space<vmem>>
    %dma_start3A_39 = tpu.memref_squeeze %dma_start3A_38 : memref<1x200xi32, #tpu.memory_space<vmem>> -> memref<200xi32, #tpu.memory_space<vmem>>
    %dma_start3A_40 = arith.constant 0 : i32
    %dma_start3A_41 = arith.constant 0 : i32
    %dma_start3A_42 = tpu.memref_slice %arg3[%dma_start3A_40, %dma_start3A_41] : memref<100000x64xbf16, #tpu.memory_space<hbm>> -> memref<100000x64xbf16, #tpu.memory_space<hbm>>
    tpu.enqueue_indirect_dma source(%dma_start3A_42 : memref<100000x64xbf16, #tpu.memory_space<hbm>>) target(%dma_start3A_36 : memref<200x64xbf16, #tpu.memory_space<vmem>>) offsets(%dma_start3A_39 : memref<200xi32, #tpu.memory_space<vmem>>) semaphore(%arg10 : memref<!tpu.dma_semaphore, #tpu.memory_space<semaphore_mem>>)
    %min3A_43 = arith.constant 3 : i32
    %min3A_44 = arith.constant 127 : i32
    %min3A_45 = arith.minsi %min3A_43, %min3A_44 : i32
    %dma_start3A_46 = arith.constant 3 : i32
    %dma_start3A_47 = arith.constant 0 : i32
    %dma_start3A_48 = arith.constant 0 : i32
    %dma_start3A_49 = tpu.memref_slice %arg6[%dma_start3A_46, %dma_start3A_47, %dma_start3A_48] : memref<4x200x64xbf16, #tpu.memory_space<vmem>> -> memref<1x200x64xbf16, #tpu.memory_space<vmem>>
    %dma_start3A_50 = tpu.memref_squeeze %dma_start3A_49 : memref<1x200x64xbf16, #tpu.memory_space<vmem>> -> memref<200x64xbf16, #tpu.memory_space<vmem>>
    %dma_start3A_51 = arith.constant 0 : i32
    %dma_start3A_52 = tpu.memref_slice %arg5[%min3A_45, %dma_start3A_51] : memref<128x200xi32, #tpu.memory_space<vmem>> -> memref<1x200xi32, #tpu.memory_space<vmem>>
    %dma_start3A_53 = tpu.memref_squeeze %dma_start3A_52 : memref<1x200xi32, #tpu.memory_space<vmem>> -> memref<200xi32, #tpu.memory_space<vmem>>
    %dma_start3A_54 = arith.constant 0 : i32
    %dma_start3A_55 = arith.constant 0 : i32
    %dma_start3A_56 = tpu.memref_slice %arg3[%dma_start3A_54, %dma_start3A_55] : memref<100000x64xbf16, #tpu.memory_space<hbm>> -> memref<100000x64xbf16, #tpu.memory_space<hbm>>
    tpu.enqueue_indirect_dma source(%dma_start3A_56 : memref<100000x64xbf16, #tpu.memory_space<hbm>>) target(%dma_start3A_50 : memref<200x64xbf16, #tpu.memory_space<vmem>>) offsets(%dma_start3A_53 : memref<200xi32, #tpu.memory_space<vmem>>) semaphore(%arg11 : memref<!tpu.dma_semaphore, #tpu.memory_space<semaphore_mem>>)
    %iota3A = tpu.iota {dimensions = array<i32: 0>} : vector<16xi32>
    %mul3A_57 = arith.constant 2 : i32
    %mul3A_58 = vector.broadcast %mul3A_57 : i32 to vector<16xi32>
    %mul3A_59 = arith.muli %mul3A_58, %iota3A : vector<16xi32>
    %mul3A_60 = arith.constant 2 : i32
    %mul3A_61 = vector.broadcast %mul3A_60 : i32 to vector<16xi32>
    %mul3A_62 = arith.muli %mul3A_61, %iota3A : vector<16xi32>
    %add3A_63 = arith.constant 1 : i32
    %add3A_64 = vector.broadcast %add3A_63 : i32 to vector<16xi32>
    %add3A_65 = arith.addi %mul3A_62, %add3A_64 : vector<16xi32>
    %mul3A_66 = arith.constant 2 : i32
    %mul3A_67 = vector.broadcast %mul3A_66 : i32 to vector<16xi32>
    %mul3A_68 = arith.muli %mul3A_67, %iota3A : vector<16xi32>
    %add3A_69 = arith.constant 32 : i32
    %add3A_70 = vector.broadcast %add3A_69 : i32 to vector<16xi32>
    %add3A_71 = arith.addi %mul3A_68, %add3A_70 : vector<16xi32>
    %mul3A_72 = arith.constant 2 : i32
    %mul3A_73 = vector.broadcast %mul3A_72 : i32 to vector<16xi32>
    %mul3A_74 = arith.muli %mul3A_73, %iota3A : vector<16xi32>
    %add3A_75 = arith.constant 33 : i32
    %add3A_76 = vector.broadcast %add3A_75 : i32 to vector<16xi32>
    %add3A_77 = arith.addi %mul3A_74, %add3A_76 : vector<16xi32>
    %scan3A = arith.constant 0 : i32
    %scan3A_78 = arith.constant 0 : i32
    %scan3A_79 = arith.constant 5.000000e-03 : f32
    %scan3A_80 = arith.constant 1 : i32
    %scan3A_81 = arith.constant 2 : i32
    %scan3A_82 = arith.constant 3 : i32
    %scan3A_83 = arith.constant 0 : i32
    %scan3A_84 = arith.constant 32 : i32
    %scan3A_85 = arith.addi %scan3A_83, %scan3A_84 : i32
    %scan3A_86 = arith.constant 1 : i32
    scf.for %scan3A_147 = %scan3A_83 to %scan3A_85 step %scan3A_86  : i32 {
      %mul3A_148 = arith.constant 4 : i32
      %mul3A_149 = arith.muli %mul3A_148, %scan3A_147 : i32
      %add3A_150 = arith.constant 0 : i32
      %add3A_151 = arith.addi %mul3A_149, %add3A_150 : i32
      %dma_wait3A_152 = arith.constant 0 : i32
      %dma_wait3A_153 = arith.constant 0 : i32
      %dma_wait3A_154 = tpu.memref_slice %arg6[%scan3A_78, %dma_wait3A_152, %dma_wait3A_153] : memref<4x200x64xbf16, #tpu.memory_space<vmem>> -> memref<1x200x64xbf16, #tpu.memory_space<vmem>>
      %dma_wait3A_155 = tpu.memref_squeeze %dma_wait3A_154 : memref<1x200x64xbf16, #tpu.memory_space<vmem>> -> memref<200x64xbf16, #tpu.memory_space<vmem>>
      %dma_wait3A_156 = arith.constant 0 : i32
      %dma_wait3A_157 = arith.constant 0 : i32
      %dma_wait3A_158 = tpu.memref_slice %arg3[%dma_wait3A_156, %dma_wait3A_157] : memref<100000x64xbf16, #tpu.memory_space<hbm>> -> memref<200x64xbf16, #tpu.memory_space<hbm>>
      %dma_wait3A_159 = arith.constant 0 : i32
      %dma_wait3A_160 = arith.constant 0 : i32
      %dma_wait3A_161 = tpu.memref_slice %arg6[%scan3A_78, %dma_wait3A_159, %dma_wait3A_160] : memref<4x200x64xbf16, #tpu.memory_space<vmem>> -> memref<1x200x64xbf16, #tpu.memory_space<vmem>>
      %dma_wait3A_162 = tpu.memref_squeeze %dma_wait3A_161 : memref<1x200x64xbf16, #tpu.memory_space<vmem>> -> memref<200x64xbf16, #tpu.memory_space<vmem>>
      %dma_wait3A_163 = arith.constant 0 : i32
      %dma_wait3A_164 = arith.constant 0 : i32
      %dma_wait3A_165 = tpu.memref_slice %arg3[%dma_wait3A_163, %dma_wait3A_164] : memref<100000x64xbf16, #tpu.memory_space<hbm>> -> memref<200x64xbf16, #tpu.memory_space<hbm>>
      tpu.wait_dma2 semaphore(%arg8 : memref<!tpu.dma_semaphore, #tpu.memory_space<semaphore_mem>>) src(%dma_wait3A_165 : memref<200x64xbf16, #tpu.memory_space<hbm>>) dst(%dma_wait3A_162 : memref<200x64xbf16, #tpu.memory_space<vmem>>)
      %broadcast_in_dim3A = arith.constant 0.000000e+00 : f32
      %broadcast_in_dim3A_166 = vector.broadcast %broadcast_in_dim3A : f32 to vector<16xf32>
      %broadcast_in_dim3A_167 = arith.constant 0.000000e+00 : f32
      %broadcast_in_dim3A_168 = vector.broadcast %broadcast_in_dim3A_167 : f32 to vector<16xf32>
      %broadcast_in_dim3A_169 = arith.constant 0.000000e+00 : f32
      %broadcast_in_dim3A_170 = vector.broadcast %broadcast_in_dim3A_169 : f32 to vector<16xf32>
      %broadcast_in_dim3A_171 = arith.constant 0.000000e+00 : f32
      %broadcast_in_dim3A_172 = vector.broadcast %broadcast_in_dim3A_171 : f32 to vector<16xf32>
      %scan3A_173 = arith.constant 0 : i32
      %scan3A_174 = arith.constant 25 : i32
      %scan3A_175 = arith.addi %scan3A_173, %scan3A_174 : i32
      %scan3A_176 = arith.constant 1 : i32
      %scan3A_177:4 = scf.for %scan3A_383 = %scan3A_173 to %scan3A_175 step %scan3A_176 iter_args(%scan3A_384 = %broadcast_in_dim3A_166, %scan3A_385 = %broadcast_in_dim3A_168, %scan3A_386 = %broadcast_in_dim3A_170, %scan3A_387 = %broadcast_in_dim3A_172) -> (vector<16xf32>, vector<16xf32>, vector<16xf32>, vector<16xf32>)  : i32 {
        %mul3A_388 = arith.constant 8 : i32
        %mul3A_389 = arith.muli %scan3A_383, %mul3A_388 : i32
        %add3A_390 = arith.constant 0 : i32
        %add3A_391 = arith.addi %mul3A_389, %add3A_390 : i32
        %get3A = arith.constant 0 : i32
        %get3A_392 = arith.constant 0 : i32
        %get3A_393 = tpu.memref_slice %arg6[%scan3A_78, %get3A, %get3A_392] : memref<4x200x64xbf16, #tpu.memory_space<vmem>> -> memref<1x200x64xbf16, #tpu.memory_space<vmem>>
        %get3A_394 = tpu.memref_squeeze %get3A_393 : memref<1x200x64xbf16, #tpu.memory_space<vmem>> -> memref<200x64xbf16, #tpu.memory_space<vmem>>
        %get3A_395 = arith.index_cast %add3A_391 : i32 to index
        %get3A_396 = arith.constant 0 : index
        %get3A_397 = tpu.vector_load %get3A_394[%get3A_395, %get3A_396] {strides = array<i32>} : memref<200x64xbf16, #tpu.memory_space<vmem>>, vector<32xbf16>,
        %add3A_398 = arith.constant 1 : i32
        %add3A_399 = arith.addi %mul3A_389, %add3A_398 : i32
        %get3A_400 = arith.constant 0 : i32
        %get3A_401 = arith.constant 0 : i32
        %get3A_402 = tpu.memref_slice %arg6[%scan3A_78, %get3A_400, %get3A_401] : memref<4x200x64xbf16, #tpu.memory_space<vmem>> -> memref<1x200x64xbf16, #tpu.memory_space<vmem>>
        %get3A_403 = tpu.memref_squeeze %get3A_402 : memref<1x200x64xbf16, #tpu.memory_space<vmem>> -> memref<200x64xbf16, #tpu.memory_space<vmem>>
        %get3A_404 = arith.index_cast %add3A_399 : i32 to index
        %get3A_405 = arith.constant 0 : index
        %get3A_406 = tpu.vector_load %get3A_403[%get3A_404, %get3A_405] {strides = array<i32>} : memref<200x64xbf16, #tpu.memory_space<vmem>>, vector<32xbf16>,
        %add3A_407 = arith.constant 2 : i32
        %add3A_408 = arith.addi %mul3A_389, %add3A_407 : i32
        %get3A_409 = arith.constant 0 : i32
        %get3A_410 = arith.constant 0 : i32
        %get3A_411 = tpu.memref_slice %arg6[%scan3A_78, %get3A_409, %get3A_410] : memref<4x200x64xbf16, #tpu.memory_space<vmem>> -> memref<1x200x64xbf16, #tpu.memory_space<vmem>>
        %get3A_412 = tpu.memref_squeeze %get3A_411 : memref<1x200x64xbf16, #tpu.memory_space<vmem>> -> memref<200x64xbf16, #tpu.memory_space<vmem>>
        %get3A_413 = arith.index_cast %add3A_408 : i32 to index
        %get3A_414 = arith.constant 0 : index
        %get3A_415 = tpu.vector_load %get3A_412[%get3A_413, %get3A_414] {strides = array<i32>} : memref<200x64xbf16, #tpu.memory_space<vmem>>, vector<32xbf16>,
        %add3A_416 = arith.constant 3 : i32
        %add3A_417 = arith.addi %mul3A_389, %add3A_416 : i32
        %get3A_418 = arith.constant 0 : i32
        %get3A_419 = arith.constant 0 : i32
        %get3A_420 = tpu.memref_slice %arg6[%scan3A_78, %get3A_418, %get3A_419] : memref<4x200x64xbf16, #tpu.memory_space<vmem>> -> memref<1x200x64xbf16, #tpu.memory_space<vmem>>
        %get3A_421 = tpu.memref_squeeze %get3A_420 : memref<1x200x64xbf16, #tpu.memory_space<vmem>> -> memref<200x64xbf16, #tpu.memory_space<vmem>>
        %get3A_422 = arith.index_cast %add3A_417 : i32 to index
        %get3A_423 = arith.constant 0 : index
        %get3A_424 = tpu.vector_load %get3A_421[%get3A_422, %get3A_423] {strides = array<i32>} : memref<200x64xbf16, #tpu.memory_space<vmem>>, vector<32xbf16>,
        %add3A_425 = arith.constant 4 : i32
        %add3A_426 = arith.addi %mul3A_389, %add3A_425 : i32
        %get3A_427 = arith.constant 0 : i32
        %get3A_428 = arith.constant 0 : i32
        %get3A_429 = tpu.memref_slice %arg6[%scan3A_78, %get3A_427, %get3A_428] : memref<4x200x64xbf16, #tpu.memory_space<vmem>> -> memref<1x200x64xbf16, #tpu.memory_space<vmem>>
        %get3A_430 = tpu.memref_squeeze %get3A_429 : memref<1x200x64xbf16, #tpu.memory_space<vmem>> -> memref<200x64xbf16, #tpu.memory_space<vmem>>
        %get3A_431 = arith.index_cast %add3A_426 : i32 to index
        %get3A_432 = arith.constant 0 : index
        %get3A_433 = tpu.vector_load %get3A_430[%get3A_431, %get3A_432] {strides = array<i32>} : memref<200x64xbf16, #tpu.memory_space<vmem>>, vector<32xbf16>,
        %add3A_434 = arith.constant 5 : i32
        %add3A_435 = arith.addi %mul3A_389, %add3A_434 : i32
        %get3A_436 = arith.constant 0 : i32
        %get3A_437 = arith.constant 0 : i32
        %get3A_438 = tpu.memref_slice %arg6[%scan3A_78, %get3A_436, %get3A_437] : memref<4x200x64xbf16, #tpu.memory_space<vmem>> -> memref<1x200x64xbf16, #tpu.memory_space<vmem>>
        %get3A_439 = tpu.memref_squeeze %get3A_438 : memref<1x200x64xbf16, #tpu.memory_space<vmem>> -> memref<200x64xbf16, #tpu.memory_space<vmem>>
        %get3A_440 = arith.index_cast %add3A_435 : i32 to index
        %get3A_441 = arith.constant 0 : index
        %get3A_442 = tpu.vector_load %get3A_439[%get3A_440, %get3A_441] {strides = array<i32>} : memref<200x64xbf16, #tpu.memory_space<vmem>>, vector<32xbf16>,
        %add3A_443 = arith.constant 6 : i32
        %add3A_444 = arith.addi %mul3A_389, %add3A_443 : i32
        %get3A_445 = arith.constant 0 : i32
        %get3A_446 = arith.constant 0 : i32
        %get3A_447 = tpu.memref_slice %arg6[%scan3A_78, %get3A_445, %get3A_446] : memref<4x200x64xbf16, #tpu.memory_space<vmem>> -> memref<1x200x64xbf16, #tpu.memory_space<vmem>>
        %get3A_448 = tpu.memref_squeeze %get3A_447 : memref<1x200x64xbf16, #tpu.memory_space<vmem>> -> memref<200x64xbf16, #tpu.memory_space<vmem>>
        %get3A_449 = arith.index_cast %add3A_444 : i32 to index
        %get3A_450 = arith.constant 0 : index
        %get3A_451 = tpu.vector_load %get3A_448[%get3A_449, %get3A_450] {strides = array<i32>} : memref<200x64xbf16, #tpu.memory_space<vmem>>, vector<32xbf16>,
        %add3A_452 = arith.constant 7 : i32
        %add3A_453 = arith.addi %mul3A_389, %add3A_452 : i32
        %get3A_454 = arith.constant 0 : i32
        %get3A_455 = arith.constant 0 : i32
        %get3A_456 = tpu.memref_slice %arg6[%scan3A_78, %get3A_454, %get3A_455] : memref<4x200x64xbf16, #tpu.memory_space<vmem>> -> memref<1x200x64xbf16, #tpu.memory_space<vmem>>
        %get3A_457 = tpu.memref_squeeze %get3A_456 : memref<1x200x64xbf16, #tpu.memory_space<vmem>> -> memref<200x64xbf16, #tpu.memory_space<vmem>>
        %get3A_458 = arith.index_cast %add3A_453 : i32 to index
        %get3A_459 = arith.constant 0 : index
        %get3A_460 = tpu.vector_load %get3A_457[%get3A_458, %get3A_459] {strides = array<i32>} : memref<200x64xbf16, #tpu.memory_space<vmem>>, vector<32xbf16>,
        %add3A_461 = arith.addf %get3A_397, %get3A_406 : vector<32xbf16>
        %add3A_462 = arith.addf %get3A_415, %get3A_424 : vector<32xbf16>
        %add3A_463 = arith.addf %get3A_433, %get3A_442 : vector<32xbf16>
        %add3A_464 = arith.addf %get3A_451, %get3A_460 : vector<32xbf16>
        %add3A_465 = arith.addf %add3A_461, %add3A_462 : vector<32xbf16>
        %add3A_466 = arith.addf %add3A_463, %add3A_464 : vector<32xbf16>
        %add3A_467 = arith.addf %add3A_465, %add3A_466 : vector<32xbf16>
        %add3A_468 = arith.constant 0 : i32
        %add3A_469 = arith.addi %mul3A_389, %add3A_468 : i32
        %get3A_470 = arith.constant 0 : i32
        %get3A_471 = arith.constant 0 : i32
        %get3A_472 = tpu.memref_slice %arg6[%scan3A_78, %get3A_470, %get3A_471] : memref<4x200x64xbf16, #tpu.memory_space<vmem>> -> memref<1x200x64xbf16, #tpu.memory_space<vmem>>
        %get3A_473 = tpu.memref_squeeze %get3A_472 : memref<1x200x64xbf16, #tpu.memory_space<vmem>> -> memref<200x64xbf16, #tpu.memory_space<vmem>>
        %get3A_474 = arith.index_cast %add3A_469 : i32 to index
        %get3A_475 = arith.constant 32 : index
        %get3A_476 = tpu.vector_load %get3A_473[%get3A_474, %get3A_475] {strides = array<i32>} : memref<200x64xbf16, #tpu.memory_space<vmem>>, vector<32xbf16>,
        %add3A_477 = arith.constant 1 : i32
        %add3A_478 = arith.addi %mul3A_389, %add3A_477 : i32
        %get3A_479 = arith.constant 0 : i32
        %get3A_480 = arith.constant 0 : i32
        %get3A_481 = tpu.memref_slice %arg6[%scan3A_78, %get3A_479, %get3A_480] : memref<4x200x64xbf16, #tpu.memory_space<vmem>> -> memref<1x200x64xbf16, #tpu.memory_space<vmem>>
        %get3A_482 = tpu.memref_squeeze %get3A_481 : memref<1x200x64xbf16, #tpu.memory_space<vmem>> -> memref<200x64xbf16, #tpu.memory_space<vmem>>
        %get3A_483 = arith.index_cast %add3A_478 : i32 to index
        %get3A_484 = arith.constant 32 : index
        %get3A_485 = tpu.vector_load %get3A_482[%get3A_483, %get3A_484] {strides = array<i32>} : memref<200x64xbf16, #tpu.memory_space<vmem>>, vector<32xbf16>,
        %add3A_486 = arith.constant 2 : i32
        %add3A_487 = arith.addi %mul3A_389, %add3A_486 : i32
        %get3A_488 = arith.constant 0 : i32
        %get3A_489 = arith.constant 0 : i32
        %get3A_490 = tpu.memref_slice %arg6[%scan3A_78, %get3A_488, %get3A_489] : memref<4x200x64xbf16, #tpu.memory_space<vmem>> -> memref<1x200x64xbf16, #tpu.memory_space<vmem>>
        %get3A_491 = tpu.memref_squeeze %get3A_490 : memref<1x200x64xbf16, #tpu.memory_space<vmem>> -> memref<200x64xbf16, #tpu.memory_space<vmem>>
        %get3A_492 = arith.index_cast %add3A_487 : i32 to index
        %get3A_493 = arith.constant 32 : index
        %get3A_494 = tpu.vector_load %get3A_491[%get3A_492, %get3A_493] {strides = array<i32>} : memref<200x64xbf16, #tpu.memory_space<vmem>>, vector<32xbf16>,
        %add3A_495 = arith.constant 3 : i32
        %add3A_496 = arith.addi %mul3A_389, %add3A_495 : i32
        %get3A_497 = arith.constant 0 : i32
        %get3A_498 = arith.constant 0 : i32
        %get3A_499 = tpu.memref_slice %arg6[%scan3A_78, %get3A_497, %get3A_498] : memref<4x200x64xbf16, #tpu.memory_space<vmem>> -> memref<1x200x64xbf16, #tpu.memory_space<vmem>>
        %get3A_500 = tpu.memref_squeeze %get3A_499 : memref<1x200x64xbf16, #tpu.memory_space<vmem>> -> memref<200x64xbf16, #tpu.memory_space<vmem>>
        %get3A_501 = arith.index_cast %add3A_496 : i32 to index
        %get3A_502 = arith.constant 32 : index
        %get3A_503 = tpu.vector_load %get3A_500[%get3A_501, %get3A_502] {strides = array<i32>} : memref<200x64xbf16, #tpu.memory_space<vmem>>, vector<32xbf16>,
        %add3A_504 = arith.constant 4 : i32
        %add3A_505 = arith.addi %mul3A_389, %add3A_504 : i32
        %get3A_506 = arith.constant 0 : i32
        %get3A_507 = arith.constant 0 : i32
        %get3A_508 = tpu.memref_slice %arg6[%scan3A_78, %get3A_506, %get3A_507] : memref<4x200x64xbf16, #tpu.memory_space<vmem>> -> memref<1x200x64xbf16, #tpu.memory_space<vmem>>
        %get3A_509 = tpu.memref_squeeze %get3A_508 : memref<1x200x64xbf16, #tpu.memory_space<vmem>> -> memref<200x64xbf16, #tpu.memory_space<vmem>>
        %get3A_510 = arith.index_cast %add3A_505 : i32 to index
        %get3A_511 = arith.constant 32 : index
        %get3A_512 = tpu.vector_load %get3A_509[%get3A_510, %get3A_511] {strides = array<i32>} : memref<200x64xbf16, #tpu.memory_space<vmem>>, vector<32xbf16>,
        %add3A_513 = arith.constant 5 : i32
        %add3A_514 = arith.addi %mul3A_389, %add3A_513 : i32
        %get3A_515 = arith.constant 0 : i32
        %get3A_516 = arith.constant 0 : i32
        %get3A_517 = tpu.memref_slice %arg6[%scan3A_78, %get3A_515, %get3A_516] : memref<4x200x64xbf16, #tpu.memory_space<vmem>> -> memref<1x200x64xbf16, #tpu.memory_space<vmem>>
        %get3A_518 = tpu.memref_squeeze %get3A_517 : memref<1x200x64xbf16, #tpu.memory_space<vmem>> -> memref<200x64xbf16, #tpu.memory_space<vmem>>
        %get3A_519 = arith.index_cast %add3A_514 : i32 to index
        %get3A_520 = arith.constant 32 : index
        %get3A_521 = tpu.vector_load %get3A_518[%get3A_519, %get3A_520] {strides = array<i32>} : memref<200x64xbf16, #tpu.memory_space<vmem>>, vector<32xbf16>,
        %add3A_522 = arith.constant 6 : i32
        %add3A_523 = arith.addi %mul3A_389, %add3A_522 : i32
        %get3A_524 = arith.constant 0 : i32
        %get3A_525 = arith.constant 0 : i32
        %get3A_526 = tpu.memref_slice %arg6[%scan3A_78, %get3A_524, %get3A_525] : memref<4x200x64xbf16, #tpu.memory_space<vmem>> -> memref<1x200x64xbf16, #tpu.memory_space<vmem>>
        %get3A_527 = tpu.memref_squeeze %get3A_526 : memref<1x200x64xbf16, #tpu.memory_space<vmem>> -> memref<200x64xbf16, #tpu.memory_space<vmem>>
        %get3A_528 = arith.index_cast %add3A_523 : i32 to index
        %get3A_529 = arith.constant 32 : index
        %get3A_530 = tpu.vector_load %get3A_527[%get3A_528, %get3A_529] {strides = array<i32>} : memref<200x64xbf16, #tpu.memory_space<vmem>>, vector<32xbf16>,
        %add3A_531 = arith.constant 7 : i32
        %add3A_532 = arith.addi %mul3A_389, %add3A_531 : i32
        %get3A_533 = arith.constant 0 : i32
        %get3A_534 = arith.constant 0 : i32
        %get3A_535 = tpu.memref_slice %arg6[%scan3A_78, %get3A_533, %get3A_534] : memref<4x200x64xbf16, #tpu.memory_space<vmem>> -> memref<1x200x64xbf16, #tpu.memory_space<vmem>>
        %get3A_536 = tpu.memref_squeeze %get3A_535 : memref<1x200x64xbf16, #tpu.memory_space<vmem>> -> memref<200x64xbf16, #tpu.memory_space<vmem>>
        %get3A_537 = arith.index_cast %add3A_532 : i32 to index
        %get3A_538 = arith.constant 32 : index
        %get3A_539 = tpu.vector_load %get3A_536[%get3A_537, %get3A_538] {strides = array<i32>} : memref<200x64xbf16, #tpu.memory_space<vmem>>, vector<32xbf16>,
        %add3A_540 = arith.addf %get3A_476, %get3A_485 : vector<32xbf16>
        %add3A_541 = arith.addf %get3A_494, %get3A_503 : vector<32xbf16>
        %add3A_542 = arith.addf %get3A_512, %get3A_521 : vector<32xbf16>
        %add3A_543 = arith.addf %get3A_530, %get3A_539 : vector<32xbf16>
        %add3A_544 = arith.addf %add3A_540, %add3A_541 : vector<32xbf16>
        %add3A_545 = arith.addf %add3A_542, %add3A_543 : vector<32xbf16>
        %add3A_546 = arith.addf %add3A_544, %add3A_545 : vector<32xbf16>
        %unpack3A = tpu.unpack_subelements %add3A_467, 0 {pack_format = #tpu.pack_format<interleaved>} : vector<32xbf16> -> vector<16xf32>
        %unpack3A_547 = tpu.unpack_subelements %add3A_467, 1 {pack_format = #tpu.pack_format<interleaved>} : vector<32xbf16> -> vector<16xf32>
        %unpack3A_548 = tpu.unpack_subelements %add3A_546, 0 {pack_format = #tpu.pack_format<interleaved>} : vector<32xbf16> -> vector<16xf32>
        %unpack3A_549 = tpu.unpack_subelements %add3A_546, 1 {pack_format = #tpu.pack_format<interleaved>} : vector<32xbf16> -> vector<16xf32>
        %add3A_550 = arith.addf %scan3A_384, %unpack3A : vector<16xf32>
        %add3A_551 = arith.addf %scan3A_385, %unpack3A_547 : vector<16xf32>
        %add3A_552 = arith.addf %scan3A_386, %unpack3A_548 : vector<16xf32>
        %add3A_553 = arith.addf %scan3A_387, %unpack3A_549 : vector<16xf32>
        scf.yield %add3A_550, %add3A_551, %add3A_552, %add3A_553 : vector<16xf32>, vector<16xf32>, vector<16xf32>, vector<16xf32>
      }
      %scan3A_178 = arith.constant 25 : i32
      %mul3A_179 = arith.constant 0 : i32
      %mul3A_180 = vector.broadcast %mul3A_179 : i32 to vector<16xi32>
      %mul3A_181 = arith.muli %iota3A, %mul3A_180 : vector<16xi32>
      %add3A_182 = vector.broadcast %add3A_151 : i32 to vector<16xi32>
      %add3A_183 = arith.addi %mul3A_181, %add3A_182 : vector<16xi32>
      %mul3A_184 = vector.broadcast %scan3A_79 : f32 to vector<16xf32>
      %mul3A_185 = arith.mulf %scan3A_177#0, %mul3A_184 : vector<16xf32>
      tpu.vector_store_idx %arg7[%add3A_183, %mul3A_59], %mul3A_185 : memref<128x64xf32, #tpu.memory_space<vmem>>[vector<16xi32>, vector<16xi32>], vector<16xf32>,
      %mul3A_186 = vector.broadcast %scan3A_79 : f32 to vector<16xf32>
      %mul3A_187 = arith.mulf %scan3A_177#1, %mul3A_186 : vector<16xf32>
      tpu.vector_store_idx %arg7[%add3A_183, %add3A_65], %mul3A_187 : memref<128x64xf32, #tpu.memory_space<vmem>>[vector<16xi32>, vector<16xi32>], vector<16xf32>,
      %mul3A_188 = vector.broadcast %scan3A_79 : f32 to vector<16xf32>
      %mul3A_189 = arith.mulf %scan3A_177#2, %mul3A_188 : vector<16xf32>
      tpu.vector_store_idx %arg7[%add3A_183, %add3A_71], %mul3A_189 : memref<128x64xf32, #tpu.memory_space<vmem>>[vector<16xi32>, vector<16xi32>], vector<16xf32>,
      %mul3A_190 = vector.broadcast %scan3A_79 : f32 to vector<16xf32>
      %mul3A_191 = arith.mulf %scan3A_177#3, %mul3A_190 : vector<16xf32>
      tpu.vector_store_idx %arg7[%add3A_183, %add3A_77], %mul3A_191 : memref<128x64xf32, #tpu.memory_space<vmem>>[vector<16xi32>, vector<16xi32>], vector<16xf32>,
      %add3A_192 = arith.constant 4 : i32
      %add3A_193 = arith.addi %add3A_151, %add3A_192 : i32
      %min3A_194 = arith.constant 127 : i32
      %min3A_195 = arith.minsi %add3A_193, %min3A_194 : i32
      %dma_start3A_196 = arith.constant 0 : i32
      %dma_start3A_197 = arith.constant 0 : i32
      %dma_start3A_198 = tpu.memref_slice %arg6[%scan3A_78, %dma_start3A_196, %dma_start3A_197] : memref<4x200x64xbf16, #tpu.memory_space<vmem>> -> memref<1x200x64xbf16, #tpu.memory_space<vmem>>
      %dma_start3A_199 = tpu.memref_squeeze %dma_start3A_198 : memref<1x200x64xbf16, #tpu.memory_space<vmem>> -> memref<200x64xbf16, #tpu.memory_space<vmem>>
      %dma_start3A_200 = arith.constant 0 : i32
      %dma_start3A_201 = tpu.memref_slice %arg5[%min3A_195, %dma_start3A_200] : memref<128x200xi32, #tpu.memory_space<vmem>> -> memref<1x200xi32, #tpu.memory_space<vmem>>
      %dma_start3A_202 = tpu.memref_squeeze %dma_start3A_201 : memref<1x200xi32, #tpu.memory_space<vmem>> -> memref<200xi32, #tpu.memory_space<vmem>>
      %dma_start3A_203 = arith.constant 0 : i32
      %dma_start3A_204 = arith.constant 0 : i32
      %dma_start3A_205 = tpu.memref_slice %arg3[%dma_start3A_203, %dma_start3A_204] : memref<100000x64xbf16, #tpu.memory_space<hbm>> -> memref<100000x64xbf16, #tpu.memory_space<hbm>>
      tpu.enqueue_indirect_dma source(%dma_start3A_205 : memref<100000x64xbf16, #tpu.memory_space<hbm>>) target(%dma_start3A_199 : memref<200x64xbf16, #tpu.memory_space<vmem>>) offsets(%dma_start3A_202 : memref<200xi32, #tpu.memory_space<vmem>>) semaphore(%arg8 : memref<!tpu.dma_semaphore, #tpu.memory_space<semaphore_mem>>)
      %mul3A_206 = arith.constant 4 : i32
      %mul3A_207 = arith.muli %mul3A_206, %scan3A_147 : i32
      %add3A_208 = arith.constant 1 : i32
      %add3A_209 = arith.addi %mul3A_207, %add3A_208 : i32
      %dma_wait3A_210 = arith.constant 0 : i32
      %dma_wait3A_211 = arith.constant 0 : i32
      %dma_wait3A_212 = tpu.memref_slice %arg6[%scan3A_80, %dma_wait3A_210, %dma_wait3A_211] : memref<4x200x64xbf16, #tpu.memory_space<vmem>> -> memref<1x200x64xbf16, #tpu.memory_space<vmem>>
      %dma_wait3A_213 = tpu.memref_squeeze %dma_wait3A_212 : memref<1x200x64xbf16, #tpu.memory_space<vmem>> -> memref<200x64xbf16, #tpu.memory_space<vmem>>
      %dma_wait3A_214 = arith.constant 0 : i32
      %dma_wait3A_215 = arith.constant 0 : i32
      %dma_wait3A_216 = tpu.memref_slice %arg3[%dma_wait3A_214, %dma_wait3A_215] : memref<100000x64xbf16, #tpu.memory_space<hbm>> -> memref<200x64xbf16, #tpu.memory_space<hbm>>
      %dma_wait3A_217 = arith.constant 0 : i32
      %dma_wait3A_218 = arith.constant 0 : i32
      %dma_wait3A_219 = tpu.memref_slice %arg6[%scan3A_80, %dma_wait3A_217, %dma_wait3A_218] : memref<4x200x64xbf16, #tpu.memory_space<vmem>> -> memref<1x200x64xbf16, #tpu.memory_space<vmem>>
      %dma_wait3A_220 = tpu.memref_squeeze %dma_wait3A_219 : memref<1x200x64xbf16, #tpu.memory_space<vmem>> -> memref<200x64xbf16, #tpu.memory_space<vmem>>
      %dma_wait3A_221 = arith.constant 0 : i32
      %dma_wait3A_222 = arith.constant 0 : i32
      %dma_wait3A_223 = tpu.memref_slice %arg3[%dma_wait3A_221, %dma_wait3A_222] : memref<100000x64xbf16, #tpu.memory_space<hbm>> -> memref<200x64xbf16, #tpu.memory_space<hbm>>
      tpu.wait_dma2 semaphore(%arg9 : memref<!tpu.dma_semaphore, #tpu.memory_space<semaphore_mem>>) src(%dma_wait3A_223 : memref<200x64xbf16, #tpu.memory_space<hbm>>) dst(%dma_wait3A_220 : memref<200x64xbf16, #tpu.memory_space<vmem>>)
      %broadcast_in_dim3A_224 = arith.constant 0.000000e+00 : f32
      %broadcast_in_dim3A_225 = vector.broadcast %broadcast_in_dim3A_224 : f32 to vector<16xf32>
      %broadcast_in_dim3A_226 = arith.constant 0.000000e+00 : f32
      %broadcast_in_dim3A_227 = vector.broadcast %broadcast_in_dim3A_226 : f32 to vector<16xf32>
      %broadcast_in_dim3A_228 = arith.constant 0.000000e+00 : f32
      %broadcast_in_dim3A_229 = vector.broadcast %broadcast_in_dim3A_228 : f32 to vector<16xf32>
      %broadcast_in_dim3A_230 = arith.constant 0.000000e+00 : f32
      %broadcast_in_dim3A_231 = vector.broadcast %broadcast_in_dim3A_230 : f32 to vector<16xf32>
      %scan3A_232 = arith.constant 0 : i32
      %scan3A_233 = arith.constant 25 : i32
      %scan3A_234 = arith.addi %scan3A_232, %scan3A_233 : i32
      %scan3A_235 = arith.constant 1 : i32
      %scan3A_236:4 = scf.for %scan3A_383 = %scan3A_232 to %scan3A_234 step %scan3A_235 iter_args(%scan3A_384 = %broadcast_in_dim3A_225, %scan3A_385 = %broadcast_in_dim3A_227, %scan3A_386 = %broadcast_in_dim3A_229, %scan3A_387 = %broadcast_in_dim3A_231) -> (vector<16xf32>, vector<16xf32>, vector<16xf32>, vector<16xf32>)  : i32 {
        %mul3A_388 = arith.constant 8 : i32
        %mul3A_389 = arith.muli %scan3A_383, %mul3A_388 : i32
        %add3A_390 = arith.constant 0 : i32
        %add3A_391 = arith.addi %mul3A_389, %add3A_390 : i32
        %get3A = arith.constant 0 : i32
        %get3A_392 = arith.constant 0 : i32
        %get3A_393 = tpu.memref_slice %arg6[%scan3A_80, %get3A, %get3A_392] : memref<4x200x64xbf16, #tpu.memory_space<vmem>> -> memref<1x200x64xbf16, #tpu.memory_space<vmem>>
        %get3A_394 = tpu.memref_squeeze %get3A_393 : memref<1x200x64xbf16, #tpu.memory_space<vmem>> -> memref<200x64xbf16, #tpu.memory_space<vmem>>
        %get3A_395 = arith.index_cast %add3A_391 : i32 to index
        %get3A_396 = arith.constant 0 : index
        %get3A_397 = tpu.vector_load %get3A_394[%get3A_395, %get3A_396] {strides = array<i32>} : memref<200x64xbf16, #tpu.memory_space<vmem>>, vector<32xbf16>,
        %add3A_398 = arith.constant 1 : i32
        %add3A_399 = arith.addi %mul3A_389, %add3A_398 : i32
        %get3A_400 = arith.constant 0 : i32
        %get3A_401 = arith.constant 0 : i32
        %get3A_402 = tpu.memref_slice %arg6[%scan3A_80, %get3A_400, %get3A_401] : memref<4x200x64xbf16, #tpu.memory_space<vmem>> -> memref<1x200x64xbf16, #tpu.memory_space<vmem>>
        %get3A_403 = tpu.memref_squeeze %get3A_402 : memref<1x200x64xbf16, #tpu.memory_space<vmem>> -> memref<200x64xbf16, #tpu.memory_space<vmem>>
        %get3A_404 = arith.index_cast %add3A_399 : i32 to index
        %get3A_405 = arith.constant 0 : index
        %get3A_406 = tpu.vector_load %get3A_403[%get3A_404, %get3A_405] {strides = array<i32>} : memref<200x64xbf16, #tpu.memory_space<vmem>>, vector<32xbf16>,
        %add3A_407 = arith.constant 2 : i32
        %add3A_408 = arith.addi %mul3A_389, %add3A_407 : i32
        %get3A_409 = arith.constant 0 : i32
        %get3A_410 = arith.constant 0 : i32
        %get3A_411 = tpu.memref_slice %arg6[%scan3A_80, %get3A_409, %get3A_410] : memref<4x200x64xbf16, #tpu.memory_space<vmem>> -> memref<1x200x64xbf16, #tpu.memory_space<vmem>>
        %get3A_412 = tpu.memref_squeeze %get3A_411 : memref<1x200x64xbf16, #tpu.memory_space<vmem>> -> memref<200x64xbf16, #tpu.memory_space<vmem>>
        %get3A_413 = arith.index_cast %add3A_408 : i32 to index
        %get3A_414 = arith.constant 0 : index
        %get3A_415 = tpu.vector_load %get3A_412[%get3A_413, %get3A_414] {strides = array<i32>} : memref<200x64xbf16, #tpu.memory_space<vmem>>, vector<32xbf16>,
        %add3A_416 = arith.constant 3 : i32
        %add3A_417 = arith.addi %mul3A_389, %add3A_416 : i32
        %get3A_418 = arith.constant 0 : i32
        %get3A_419 = arith.constant 0 : i32
        %get3A_420 = tpu.memref_slice %arg6[%scan3A_80, %get3A_418, %get3A_419] : memref<4x200x64xbf16, #tpu.memory_space<vmem>> -> memref<1x200x64xbf16, #tpu.memory_space<vmem>>
        %get3A_421 = tpu.memref_squeeze %get3A_420 : memref<1x200x64xbf16, #tpu.memory_space<vmem>> -> memref<200x64xbf16, #tpu.memory_space<vmem>>
        %get3A_422 = arith.index_cast %add3A_417 : i32 to index
        %get3A_423 = arith.constant 0 : index
        %get3A_424 = tpu.vector_load %get3A_421[%get3A_422, %get3A_423] {strides = array<i32>} : memref<200x64xbf16, #tpu.memory_space<vmem>>, vector<32xbf16>,
        %add3A_425 = arith.constant 4 : i32
        %add3A_426 = arith.addi %mul3A_389, %add3A_425 : i32
        %get3A_427 = arith.constant 0 : i32
        %get3A_428 = arith.constant 0 : i32
        %get3A_429 = tpu.memref_slice %arg6[%scan3A_80, %get3A_427, %get3A_428] : memref<4x200x64xbf16, #tpu.memory_space<vmem>> -> memref<1x200x64xbf16, #tpu.memory_space<vmem>>
        %get3A_430 = tpu.memref_squeeze %get3A_429 : memref<1x200x64xbf16, #tpu.memory_space<vmem>> -> memref<200x64xbf16, #tpu.memory_space<vmem>>
        %get3A_431 = arith.index_cast %add3A_426 : i32 to index
        %get3A_432 = arith.constant 0 : index
        %get3A_433 = tpu.vector_load %get3A_430[%get3A_431, %get3A_432] {strides = array<i32>} : memref<200x64xbf16, #tpu.memory_space<vmem>>, vector<32xbf16>,
        %add3A_434 = arith.constant 5 : i32
        %add3A_435 = arith.addi %mul3A_389, %add3A_434 : i32
        %get3A_436 = arith.constant 0 : i32
        %get3A_437 = arith.constant 0 : i32
        %get3A_438 = tpu.memref_slice %arg6[%scan3A_80, %get3A_436, %get3A_437] : memref<4x200x64xbf16, #tpu.memory_space<vmem>> -> memref<1x200x64xbf16, #tpu.memory_space<vmem>>
        %get3A_439 = tpu.memref_squeeze %get3A_438 : memref<1x200x64xbf16, #tpu.memory_space<vmem>> -> memref<200x64xbf16, #tpu.memory_space<vmem>>
        %get3A_440 = arith.index_cast %add3A_435 : i32 to index
        %get3A_441 = arith.constant 0 : index
        %get3A_442 = tpu.vector_load %get3A_439[%get3A_440, %get3A_441] {strides = array<i32>} : memref<200x64xbf16, #tpu.memory_space<vmem>>, vector<32xbf16>,
        %add3A_443 = arith.constant 6 : i32
        %add3A_444 = arith.addi %mul3A_389, %add3A_443 : i32
        %get3A_445 = arith.constant 0 : i32
        %get3A_446 = arith.constant 0 : i32
        %get3A_447 = tpu.memref_slice %arg6[%scan3A_80, %get3A_445, %get3A_446] : memref<4x200x64xbf16, #tpu.memory_space<vmem>> -> memref<1x200x64xbf16, #tpu.memory_space<vmem>>
        %get3A_448 = tpu.memref_squeeze %get3A_447 : memref<1x200x64xbf16, #tpu.memory_space<vmem>> -> memref<200x64xbf16, #tpu.memory_space<vmem>>
        %get3A_449 = arith.index_cast %add3A_444 : i32 to index
        %get3A_450 = arith.constant 0 : index
        %get3A_451 = tpu.vector_load %get3A_448[%get3A_449, %get3A_450] {strides = array<i32>} : memref<200x64xbf16, #tpu.memory_space<vmem>>, vector<32xbf16>,
        %add3A_452 = arith.constant 7 : i32
        %add3A_453 = arith.addi %mul3A_389, %add3A_452 : i32
        %get3A_454 = arith.constant 0 : i32
        %get3A_455 = arith.constant 0 : i32
        %get3A_456 = tpu.memref_slice %arg6[%scan3A_80, %get3A_454, %get3A_455] : memref<4x200x64xbf16, #tpu.memory_space<vmem>> -> memref<1x200x64xbf16, #tpu.memory_space<vmem>>
        %get3A_457 = tpu.memref_squeeze %get3A_456 : memref<1x200x64xbf16, #tpu.memory_space<vmem>> -> memref<200x64xbf16, #tpu.memory_space<vmem>>
        %get3A_458 = arith.index_cast %add3A_453 : i32 to index
        %get3A_459 = arith.constant 0 : index
        %get3A_460 = tpu.vector_load %get3A_457[%get3A_458, %get3A_459] {strides = array<i32>} : memref<200x64xbf16, #tpu.memory_space<vmem>>, vector<32xbf16>,
        %add3A_461 = arith.addf %get3A_397, %get3A_406 : vector<32xbf16>
        %add3A_462 = arith.addf %get3A_415, %get3A_424 : vector<32xbf16>
        %add3A_463 = arith.addf %get3A_433, %get3A_442 : vector<32xbf16>
        %add3A_464 = arith.addf %get3A_451, %get3A_460 : vector<32xbf16>
        %add3A_465 = arith.addf %add3A_461, %add3A_462 : vector<32xbf16>
        %add3A_466 = arith.addf %add3A_463, %add3A_464 : vector<32xbf16>
        %add3A_467 = arith.addf %add3A_465, %add3A_466 : vector<32xbf16>
        %add3A_468 = arith.constant 0 : i32
        %add3A_469 = arith.addi %mul3A_389, %add3A_468 : i32
        %get3A_470 = arith.constant 0 : i32
        %get3A_471 = arith.constant 0 : i32
        %get3A_472 = tpu.memref_slice %arg6[%scan3A_80, %get3A_470, %get3A_471] : memref<4x200x64xbf16, #tpu.memory_space<vmem>> -> memref<1x200x64xbf16, #tpu.memory_space<vmem>>
        %get3A_473 = tpu.memref_squeeze %get3A_472 : memref<1x200x64xbf16, #tpu.memory_space<vmem>> -> memref<200x64xbf16, #tpu.memory_space<vmem>>
        %get3A_474 = arith.index_cast %add3A_469 : i32 to index
        %get3A_475 = arith.constant 32 : index
        %get3A_476 = tpu.vector_load %get3A_473[%get3A_474, %get3A_475] {strides = array<i32>} : memref<200x64xbf16, #tpu.memory_space<vmem>>, vector<32xbf16>,
        %add3A_477 = arith.constant 1 : i32
        %add3A_478 = arith.addi %mul3A_389, %add3A_477 : i32
        %get3A_479 = arith.constant 0 : i32
        %get3A_480 = arith.constant 0 : i32
        %get3A_481 = tpu.memref_slice %arg6[%scan3A_80, %get3A_479, %get3A_480] : memref<4x200x64xbf16, #tpu.memory_space<vmem>> -> memref<1x200x64xbf16, #tpu.memory_space<vmem>>
        %get3A_482 = tpu.memref_squeeze %get3A_481 : memref<1x200x64xbf16, #tpu.memory_space<vmem>> -> memref<200x64xbf16, #tpu.memory_space<vmem>>
        %get3A_483 = arith.index_cast %add3A_478 : i32 to index
        %get3A_484 = arith.constant 32 : index
        %get3A_485 = tpu.vector_load %get3A_482[%get3A_483, %get3A_484] {strides = array<i32>} : memref<200x64xbf16, #tpu.memory_space<vmem>>, vector<32xbf16>,
        %add3A_486 = arith.constant 2 : i32
        %add3A_487 = arith.addi %mul3A_389, %add3A_486 : i32
        %get3A_488 = arith.constant 0 : i32
        %get3A_489 = arith.constant 0 : i32
        %get3A_490 = tpu.memref_slice %arg6[%scan3A_80, %get3A_488, %get3A_489] : memref<4x200x64xbf16, #tpu.memory_space<vmem>> -> memref<1x200x64xbf16, #tpu.memory_space<vmem>>
        %get3A_491 = tpu.memref_squeeze %get3A_490 : memref<1x200x64xbf16, #tpu.memory_space<vmem>> -> memref<200x64xbf16, #tpu.memory_space<vmem>>
        %get3A_492 = arith.index_cast %add3A_487 : i32 to index
        %get3A_493 = arith.constant 32 : index
        %get3A_494 = tpu.vector_load %get3A_491[%get3A_492, %get3A_493] {strides = array<i32>} : memref<200x64xbf16, #tpu.memory_space<vmem>>, vector<32xbf16>,
        %add3A_495 = arith.constant 3 : i32
        %add3A_496 = arith.addi %mul3A_389, %add3A_495 : i32
        %get3A_497 = arith.constant 0 : i32
        %get3A_498 = arith.constant 0 : i32
        %get3A_499 = tpu.memref_slice %arg6[%scan3A_80, %get3A_497, %get3A_498] : memref<4x200x64xbf16, #tpu.memory_space<vmem>> -> memref<1x200x64xbf16, #tpu.memory_space<vmem>>
        %get3A_500 = tpu.memref_squeeze %get3A_499 : memref<1x200x64xbf16, #tpu.memory_space<vmem>> -> memref<200x64xbf16, #tpu.memory_space<vmem>>
        %get3A_501 = arith.index_cast %add3A_496 : i32 to index
        %get3A_502 = arith.constant 32 : index
        %get3A_503 = tpu.vector_load %get3A_500[%get3A_501, %get3A_502] {strides = array<i32>} : memref<200x64xbf16, #tpu.memory_space<vmem>>, vector<32xbf16>,
        %add3A_504 = arith.constant 4 : i32
        %add3A_505 = arith.addi %mul3A_389, %add3A_504 : i32
        %get3A_506 = arith.constant 0 : i32
        %get3A_507 = arith.constant 0 : i32
        %get3A_508 = tpu.memref_slice %arg6[%scan3A_80, %get3A_506, %get3A_507] : memref<4x200x64xbf16, #tpu.memory_space<vmem>> -> memref<1x200x64xbf16, #tpu.memory_space<vmem>>
        %get3A_509 = tpu.memref_squeeze %get3A_508 : memref<1x200x64xbf16, #tpu.memory_space<vmem>> -> memref<200x64xbf16, #tpu.memory_space<vmem>>
        %get3A_510 = arith.index_cast %add3A_505 : i32 to index
        %get3A_511 = arith.constant 32 : index
        %get3A_512 = tpu.vector_load %get3A_509[%get3A_510, %get3A_511] {strides = array<i32>} : memref<200x64xbf16, #tpu.memory_space<vmem>>, vector<32xbf16>,
        %add3A_513 = arith.constant 5 : i32
        %add3A_514 = arith.addi %mul3A_389, %add3A_513 : i32
        %get3A_515 = arith.constant 0 : i32
        %get3A_516 = arith.constant 0 : i32
        %get3A_517 = tpu.memref_slice %arg6[%scan3A_80, %get3A_515, %get3A_516] : memref<4x200x64xbf16, #tpu.memory_space<vmem>> -> memref<1x200x64xbf16, #tpu.memory_space<vmem>>
        %get3A_518 = tpu.memref_squeeze %get3A_517 : memref<1x200x64xbf16, #tpu.memory_space<vmem>> -> memref<200x64xbf16, #tpu.memory_space<vmem>>
        %get3A_519 = arith.index_cast %add3A_514 : i32 to index
        %get3A_520 = arith.constant 32 : index
        %get3A_521 = tpu.vector_load %get3A_518[%get3A_519, %get3A_520] {strides = array<i32>} : memref<200x64xbf16, #tpu.memory_space<vmem>>, vector<32xbf16>,
        %add3A_522 = arith.constant 6 : i32
        %add3A_523 = arith.addi %mul3A_389, %add3A_522 : i32
        %get3A_524 = arith.constant 0 : i32
        %get3A_525 = arith.constant 0 : i32
        %get3A_526 = tpu.memref_slice %arg6[%scan3A_80, %get3A_524, %get3A_525] : memref<4x200x64xbf16, #tpu.memory_space<vmem>> -> memref<1x200x64xbf16, #tpu.memory_space<vmem>>
        %get3A_527 = tpu.memref_squeeze %get3A_526 : memref<1x200x64xbf16, #tpu.memory_space<vmem>> -> memref<200x64xbf16, #tpu.memory_space<vmem>>
        %get3A_528 = arith.index_cast %add3A_523 : i32 to index
        %get3A_529 = arith.constant 32 : index
        %get3A_530 = tpu.vector_load %get3A_527[%get3A_528, %get3A_529] {strides = array<i32>} : memref<200x64xbf16, #tpu.memory_space<vmem>>, vector<32xbf16>,
        %add3A_531 = arith.constant 7 : i32
        %add3A_532 = arith.addi %mul3A_389, %add3A_531 : i32
        %get3A_533 = arith.constant 0 : i32
        %get3A_534 = arith.constant 0 : i32
        %get3A_535 = tpu.memref_slice %arg6[%scan3A_80, %get3A_533, %get3A_534] : memref<4x200x64xbf16, #tpu.memory_space<vmem>> -> memref<1x200x64xbf16, #tpu.memory_space<vmem>>
        %get3A_536 = tpu.memref_squeeze %get3A_535 : memref<1x200x64xbf16, #tpu.memory_space<vmem>> -> memref<200x64xbf16, #tpu.memory_space<vmem>>
        %get3A_537 = arith.index_cast %add3A_532 : i32 to index
        %get3A_538 = arith.constant 32 : index
        %get3A_539 = tpu.vector_load %get3A_536[%get3A_537, %get3A_538] {strides = array<i32>} : memref<200x64xbf16, #tpu.memory_space<vmem>>, vector<32xbf16>,
        %add3A_540 = arith.addf %get3A_476, %get3A_485 : vector<32xbf16>
        %add3A_541 = arith.addf %get3A_494, %get3A_503 : vector<32xbf16>
        %add3A_542 = arith.addf %get3A_512, %get3A_521 : vector<32xbf16>
        %add3A_543 = arith.addf %get3A_530, %get3A_539 : vector<32xbf16>
        %add3A_544 = arith.addf %add3A_540, %add3A_541 : vector<32xbf16>
        %add3A_545 = arith.addf %add3A_542, %add3A_543 : vector<32xbf16>
        %add3A_546 = arith.addf %add3A_544, %add3A_545 : vector<32xbf16>
        %unpack3A = tpu.unpack_subelements %add3A_467, 0 {pack_format = #tpu.pack_format<interleaved>} : vector<32xbf16> -> vector<16xf32>
        %unpack3A_547 = tpu.unpack_subelements %add3A_467, 1 {pack_format = #tpu.pack_format<interleaved>} : vector<32xbf16> -> vector<16xf32>
        %unpack3A_548 = tpu.unpack_subelements %add3A_546, 0 {pack_format = #tpu.pack_format<interleaved>} : vector<32xbf16> -> vector<16xf32>
        %unpack3A_549 = tpu.unpack_subelements %add3A_546, 1 {pack_format = #tpu.pack_format<interleaved>} : vector<32xbf16> -> vector<16xf32>
        %add3A_550 = arith.addf %scan3A_384, %unpack3A : vector<16xf32>
        %add3A_551 = arith.addf %scan3A_385, %unpack3A_547 : vector<16xf32>
        %add3A_552 = arith.addf %scan3A_386, %unpack3A_548 : vector<16xf32>
        %add3A_553 = arith.addf %scan3A_387, %unpack3A_549 : vector<16xf32>
        scf.yield %add3A_550, %add3A_551, %add3A_552, %add3A_553 : vector<16xf32>, vector<16xf32>, vector<16xf32>, vector<16xf32>
      }
      %scan3A_237 = arith.constant 25 : i32
      %mul3A_238 = arith.constant 0 : i32
      %mul3A_239 = vector.broadcast %mul3A_238 : i32 to vector<16xi32>
      %mul3A_240 = arith.muli %iota3A, %mul3A_239 : vector<16xi32>
      %add3A_241 = vector.broadcast %add3A_209 : i32 to vector<16xi32>
      %add3A_242 = arith.addi %mul3A_240, %add3A_241 : vector<16xi32>
      %mul3A_243 = vector.broadcast %scan3A_79 : f32 to vector<16xf32>
      %mul3A_244 = arith.mulf %scan3A_236#0, %mul3A_243 : vector<16xf32>
      tpu.vector_store_idx %arg7[%add3A_242, %mul3A_59], %mul3A_244 : memref<128x64xf32, #tpu.memory_space<vmem>>[vector<16xi32>, vector<16xi32>], vector<16xf32>,
      %mul3A_245 = vector.broadcast %scan3A_79 : f32 to vector<16xf32>
      %mul3A_246 = arith.mulf %scan3A_236#1, %mul3A_245 : vector<16xf32>
      tpu.vector_store_idx %arg7[%add3A_242, %add3A_65], %mul3A_246 : memref<128x64xf32, #tpu.memory_space<vmem>>[vector<16xi32>, vector<16xi32>], vector<16xf32>,
      %mul3A_247 = vector.broadcast %scan3A_79 : f32 to vector<16xf32>
      %mul3A_248 = arith.mulf %scan3A_236#2, %mul3A_247 : vector<16xf32>
      tpu.vector_store_idx %arg7[%add3A_242, %add3A_71], %mul3A_248 : memref<128x64xf32, #tpu.memory_space<vmem>>[vector<16xi32>, vector<16xi32>], vector<16xf32>,
      %mul3A_249 = vector.broadcast %scan3A_79 : f32 to vector<16xf32>
      %mul3A_250 = arith.mulf %scan3A_236#3, %mul3A_249 : vector<16xf32>
      tpu.vector_store_idx %arg7[%add3A_242, %add3A_77], %mul3A_250 : memref<128x64xf32, #tpu.memory_space<vmem>>[vector<16xi32>, vector<16xi32>], vector<16xf32>,
      %add3A_251 = arith.constant 4 : i32
      %add3A_252 = arith.addi %add3A_209, %add3A_251 : i32
      %min3A_253 = arith.constant 127 : i32
      %min3A_254 = arith.minsi %add3A_252, %min3A_253 : i32
      %dma_start3A_255 = arith.constant 0 : i32
      %dma_start3A_256 = arith.constant 0 : i32
      %dma_start3A_257 = tpu.memref_slice %arg6[%scan3A_80, %dma_start3A_255, %dma_start3A_256] : memref<4x200x64xbf16, #tpu.memory_space<vmem>> -> memref<1x200x64xbf16, #tpu.memory_space<vmem>>
      %dma_start3A_258 = tpu.memref_squeeze %dma_start3A_257 : memref<1x200x64xbf16, #tpu.memory_space<vmem>> -> memref<200x64xbf16, #tpu.memory_space<vmem>>
      %dma_start3A_259 = arith.constant 0 : i32
      %dma_start3A_260 = tpu.memref_slice %arg5[%min3A_254, %dma_start3A_259] : memref<128x200xi32, #tpu.memory_space<vmem>> -> memref<1x200xi32, #tpu.memory_space<vmem>>
      %dma_start3A_261 = tpu.memref_squeeze %dma_start3A_260 : memref<1x200xi32, #tpu.memory_space<vmem>> -> memref<200xi32, #tpu.memory_space<vmem>>
      %dma_start3A_262 = arith.constant 0 : i32
      %dma_start3A_263 = arith.constant 0 : i32
      %dma_start3A_264 = tpu.memref_slice %arg3[%dma_start3A_262, %dma_start3A_263] : memref<100000x64xbf16, #tpu.memory_space<hbm>> -> memref<100000x64xbf16, #tpu.memory_space<hbm>>
      tpu.enqueue_indirect_dma source(%dma_start3A_264 : memref<100000x64xbf16, #tpu.memory_space<hbm>>) target(%dma_start3A_258 : memref<200x64xbf16, #tpu.memory_space<vmem>>) offsets(%dma_start3A_261 : memref<200xi32, #tpu.memory_space<vmem>>) semaphore(%arg9 : memref<!tpu.dma_semaphore, #tpu.memory_space<semaphore_mem>>)
      %mul3A_265 = arith.constant 4 : i32
      %mul3A_266 = arith.muli %mul3A_265, %scan3A_147 : i32
      %add3A_267 = arith.constant 2 : i32
      %add3A_268 = arith.addi %mul3A_266, %add3A_267 : i32
      %dma_wait3A_269 = arith.constant 0 : i32
      %dma_wait3A_270 = arith.constant 0 : i32
      %dma_wait3A_271 = tpu.memref_slice %arg6[%scan3A_81, %dma_wait3A_269, %dma_wait3A_270] : memref<4x200x64xbf16, #tpu.memory_space<vmem>> -> memref<1x200x64xbf16, #tpu.memory_space<vmem>>
      %dma_wait3A_272 = tpu.memref_squeeze %dma_wait3A_271 : memref<1x200x64xbf16, #tpu.memory_space<vmem>> -> memref<200x64xbf16, #tpu.memory_space<vmem>>
      %dma_wait3A_273 = arith.constant 0 : i32
      %dma_wait3A_274 = arith.constant 0 : i32
      %dma_wait3A_275 = tpu.memref_slice %arg3[%dma_wait3A_273, %dma_wait3A_274] : memref<100000x64xbf16, #tpu.memory_space<hbm>> -> memref<200x64xbf16, #tpu.memory_space<hbm>>
      %dma_wait3A_276 = arith.constant 0 : i32
      %dma_wait3A_277 = arith.constant 0 : i32
      %dma_wait3A_278 = tpu.memref_slice %arg6[%scan3A_81, %dma_wait3A_276, %dma_wait3A_277] : memref<4x200x64xbf16, #tpu.memory_space<vmem>> -> memref<1x200x64xbf16, #tpu.memory_space<vmem>>
      %dma_wait3A_279 = tpu.memref_squeeze %dma_wait3A_278 : memref<1x200x64xbf16, #tpu.memory_space<vmem>> -> memref<200x64xbf16, #tpu.memory_space<vmem>>
      %dma_wait3A_280 = arith.constant 0 : i32
      %dma_wait3A_281 = arith.constant 0 : i32
      %dma_wait3A_282 = tpu.memref_slice %arg3[%dma_wait3A_280, %dma_wait3A_281] : memref<100000x64xbf16, #tpu.memory_space<hbm>> -> memref<200x64xbf16, #tpu.memory_space<hbm>>
      tpu.wait_dma2 semaphore(%arg10 : memref<!tpu.dma_semaphore, #tpu.memory_space<semaphore_mem>>) src(%dma_wait3A_282 : memref<200x64xbf16, #tpu.memory_space<hbm>>) dst(%dma_wait3A_279 : memref<200x64xbf16, #tpu.memory_space<vmem>>)
      %broadcast_in_dim3A_283 = arith.constant 0.000000e+00 : f32
      %broadcast_in_dim3A_284 = vector.broadcast %broadcast_in_dim3A_283 : f32 to vector<16xf32>
      %broadcast_in_dim3A_285 = arith.constant 0.000000e+00 : f32
      %broadcast_in_dim3A_286 = vector.broadcast %broadcast_in_dim3A_285 : f32 to vector<16xf32>
      %broadcast_in_dim3A_287 = arith.constant 0.000000e+00 : f32
      %broadcast_in_dim3A_288 = vector.broadcast %broadcast_in_dim3A_287 : f32 to vector<16xf32>
      %broadcast_in_dim3A_289 = arith.constant 0.000000e+00 : f32
      %broadcast_in_dim3A_290 = vector.broadcast %broadcast_in_dim3A_289 : f32 to vector<16xf32>
      %scan3A_291 = arith.constant 0 : i32
      %scan3A_292 = arith.constant 25 : i32
      %scan3A_293 = arith.addi %scan3A_291, %scan3A_292 : i32
      %scan3A_294 = arith.constant 1 : i32
      %scan3A_295:4 = scf.for %scan3A_383 = %scan3A_291 to %scan3A_293 step %scan3A_294 iter_args(%scan3A_384 = %broadcast_in_dim3A_284, %scan3A_385 = %broadcast_in_dim3A_286, %scan3A_386 = %broadcast_in_dim3A_288, %scan3A_387 = %broadcast_in_dim3A_290) -> (vector<16xf32>, vector<16xf32>, vector<16xf32>, vector<16xf32>)  : i32 {
        %mul3A_388 = arith.constant 8 : i32
        %mul3A_389 = arith.muli %scan3A_383, %mul3A_388 : i32
        %add3A_390 = arith.constant 0 : i32
        %add3A_391 = arith.addi %mul3A_389, %add3A_390 : i32
        %get3A = arith.constant 0 : i32
        %get3A_392 = arith.constant 0 : i32
        %get3A_393 = tpu.memref_slice %arg6[%scan3A_81, %get3A, %get3A_392] : memref<4x200x64xbf16, #tpu.memory_space<vmem>> -> memref<1x200x64xbf16, #tpu.memory_space<vmem>>
        %get3A_394 = tpu.memref_squeeze %get3A_393 : memref<1x200x64xbf16, #tpu.memory_space<vmem>> -> memref<200x64xbf16, #tpu.memory_space<vmem>>
        %get3A_395 = arith.index_cast %add3A_391 : i32 to index
        %get3A_396 = arith.constant 0 : index
        %get3A_397 = tpu.vector_load %get3A_394[%get3A_395, %get3A_396] {strides = array<i32>} : memref<200x64xbf16, #tpu.memory_space<vmem>>, vector<32xbf16>,
        %add3A_398 = arith.constant 1 : i32
        %add3A_399 = arith.addi %mul3A_389, %add3A_398 : i32
        %get3A_400 = arith.constant 0 : i32
        %get3A_401 = arith.constant 0 : i32
        %get3A_402 = tpu.memref_slice %arg6[%scan3A_81, %get3A_400, %get3A_401] : memref<4x200x64xbf16, #tpu.memory_space<vmem>> -> memref<1x200x64xbf16, #tpu.memory_space<vmem>>
        %get3A_403 = tpu.memref_squeeze %get3A_402 : memref<1x200x64xbf16, #tpu.memory_space<vmem>> -> memref<200x64xbf16, #tpu.memory_space<vmem>>
        %get3A_404 = arith.index_cast %add3A_399 : i32 to index
        %get3A_405 = arith.constant 0 : index
        %get3A_406 = tpu.vector_load %get3A_403[%get3A_404, %get3A_405] {strides = array<i32>} : memref<200x64xbf16, #tpu.memory_space<vmem>>, vector<32xbf16>,
        %add3A_407 = arith.constant 2 : i32
        %add3A_408 = arith.addi %mul3A_389, %add3A_407 : i32
        %get3A_409 = arith.constant 0 : i32
        %get3A_410 = arith.constant 0 : i32
        %get3A_411 = tpu.memref_slice %arg6[%scan3A_81, %get3A_409, %get3A_410] : memref<4x200x64xbf16, #tpu.memory_space<vmem>> -> memref<1x200x64xbf16, #tpu.memory_space<vmem>>
        %get3A_412 = tpu.memref_squeeze %get3A_411 : memref<1x200x64xbf16, #tpu.memory_space<vmem>> -> memref<200x64xbf16, #tpu.memory_space<vmem>>
        %get3A_413 = arith.index_cast %add3A_408 : i32 to index
        %get3A_414 = arith.constant 0 : index
        %get3A_415 = tpu.vector_load %get3A_412[%get3A_413, %get3A_414] {strides = array<i32>} : memref<200x64xbf16, #tpu.memory_space<vmem>>, vector<32xbf16>,
        %add3A_416 = arith.constant 3 : i32
        %add3A_417 = arith.addi %mul3A_389, %add3A_416 : i32
        %get3A_418 = arith.constant 0 : i32
        %get3A_419 = arith.constant 0 : i32
        %get3A_420 = tpu.memref_slice %arg6[%scan3A_81, %get3A_418, %get3A_419] : memref<4x200x64xbf16, #tpu.memory_space<vmem>> -> memref<1x200x64xbf16, #tpu.memory_space<vmem>>
        %get3A_421 = tpu.memref_squeeze %get3A_420 : memref<1x200x64xbf16, #tpu.memory_space<vmem>> -> memref<200x64xbf16, #tpu.memory_space<vmem>>
        %get3A_422 = arith.index_cast %add3A_417 : i32 to index
        %get3A_423 = arith.constant 0 : index
        %get3A_424 = tpu.vector_load %get3A_421[%get3A_422, %get3A_423] {strides = array<i32>} : memref<200x64xbf16, #tpu.memory_space<vmem>>, vector<32xbf16>,
        %add3A_425 = arith.constant 4 : i32
        %add3A_426 = arith.addi %mul3A_389, %add3A_425 : i32
        %get3A_427 = arith.constant 0 : i32
        %get3A_428 = arith.constant 0 : i32
        %get3A_429 = tpu.memref_slice %arg6[%scan3A_81, %get3A_427, %get3A_428] : memref<4x200x64xbf16, #tpu.memory_space<vmem>> -> memref<1x200x64xbf16, #tpu.memory_space<vmem>>
        %get3A_430 = tpu.memref_squeeze %get3A_429 : memref<1x200x64xbf16, #tpu.memory_space<vmem>> -> memref<200x64xbf16, #tpu.memory_space<vmem>>
        %get3A_431 = arith.index_cast %add3A_426 : i32 to index
        %get3A_432 = arith.constant 0 : index
        %get3A_433 = tpu.vector_load %get3A_430[%get3A_431, %get3A_432] {strides = array<i32>} : memref<200x64xbf16, #tpu.memory_space<vmem>>, vector<32xbf16>,
        %add3A_434 = arith.constant 5 : i32
        %add3A_435 = arith.addi %mul3A_389, %add3A_434 : i32
        %get3A_436 = arith.constant 0 : i32
        %get3A_437 = arith.constant 0 : i32
        %get3A_438 = tpu.memref_slice %arg6[%scan3A_81, %get3A_436, %get3A_437] : memref<4x200x64xbf16, #tpu.memory_space<vmem>> -> memref<1x200x64xbf16, #tpu.memory_space<vmem>>
        %get3A_439 = tpu.memref_squeeze %get3A_438 : memref<1x200x64xbf16, #tpu.memory_space<vmem>> -> memref<200x64xbf16, #tpu.memory_space<vmem>>
        %get3A_440 = arith.index_cast %add3A_435 : i32 to index
        %get3A_441 = arith.constant 0 : index
        %get3A_442 = tpu.vector_load %get3A_439[%get3A_440, %get3A_441] {strides = array<i32>} : memref<200x64xbf16, #tpu.memory_space<vmem>>, vector<32xbf16>,
        %add3A_443 = arith.constant 6 : i32
        %add3A_444 = arith.addi %mul3A_389, %add3A_443 : i32
        %get3A_445 = arith.constant 0 : i32
        %get3A_446 = arith.constant 0 : i32
        %get3A_447 = tpu.memref_slice %arg6[%scan3A_81, %get3A_445, %get3A_446] : memref<4x200x64xbf16, #tpu.memory_space<vmem>> -> memref<1x200x64xbf16, #tpu.memory_space<vmem>>
        %get3A_448 = tpu.memref_squeeze %get3A_447 : memref<1x200x64xbf16, #tpu.memory_space<vmem>> -> memref<200x64xbf16, #tpu.memory_space<vmem>>
        %get3A_449 = arith.index_cast %add3A_444 : i32 to index
        %get3A_450 = arith.constant 0 : index
        %get3A_451 = tpu.vector_load %get3A_448[%get3A_449, %get3A_450] {strides = array<i32>} : memref<200x64xbf16, #tpu.memory_space<vmem>>, vector<32xbf16>,
        %add3A_452 = arith.constant 7 : i32
        %add3A_453 = arith.addi %mul3A_389, %add3A_452 : i32
        %get3A_454 = arith.constant 0 : i32
        %get3A_455 = arith.constant 0 : i32
        %get3A_456 = tpu.memref_slice %arg6[%scan3A_81, %get3A_454, %get3A_455] : memref<4x200x64xbf16, #tpu.memory_space<vmem>> -> memref<1x200x64xbf16, #tpu.memory_space<vmem>>
        %get3A_457 = tpu.memref_squeeze %get3A_456 : memref<1x200x64xbf16, #tpu.memory_space<vmem>> -> memref<200x64xbf16, #tpu.memory_space<vmem>>
        %get3A_458 = arith.index_cast %add3A_453 : i32 to index
        %get3A_459 = arith.constant 0 : index
        %get3A_460 = tpu.vector_load %get3A_457[%get3A_458, %get3A_459] {strides = array<i32>} : memref<200x64xbf16, #tpu.memory_space<vmem>>, vector<32xbf16>,
        %add3A_461 = arith.addf %get3A_397, %get3A_406 : vector<32xbf16>
        %add3A_462 = arith.addf %get3A_415, %get3A_424 : vector<32xbf16>
        %add3A_463 = arith.addf %get3A_433, %get3A_442 : vector<32xbf16>
        %add3A_464 = arith.addf %get3A_451, %get3A_460 : vector<32xbf16>
        %add3A_465 = arith.addf %add3A_461, %add3A_462 : vector<32xbf16>
        %add3A_466 = arith.addf %add3A_463, %add3A_464 : vector<32xbf16>
        %add3A_467 = arith.addf %add3A_465, %add3A_466 : vector<32xbf16>
        %add3A_468 = arith.constant 0 : i32
        %add3A_469 = arith.addi %mul3A_389, %add3A_468 : i32
        %get3A_470 = arith.constant 0 : i32
        %get3A_471 = arith.constant 0 : i32
        %get3A_472 = tpu.memref_slice %arg6[%scan3A_81, %get3A_470, %get3A_471] : memref<4x200x64xbf16, #tpu.memory_space<vmem>> -> memref<1x200x64xbf16, #tpu.memory_space<vmem>>
        %get3A_473 = tpu.memref_squeeze %get3A_472 : memref<1x200x64xbf16, #tpu.memory_space<vmem>> -> memref<200x64xbf16, #tpu.memory_space<vmem>>
        %get3A_474 = arith.index_cast %add3A_469 : i32 to index
        %get3A_475 = arith.constant 32 : index
        %get3A_476 = tpu.vector_load %get3A_473[%get3A_474, %get3A_475] {strides = array<i32>} : memref<200x64xbf16, #tpu.memory_space<vmem>>, vector<32xbf16>,
        %add3A_477 = arith.constant 1 : i32
        %add3A_478 = arith.addi %mul3A_389, %add3A_477 : i32
        %get3A_479 = arith.constant 0 : i32
        %get3A_480 = arith.constant 0 : i32
        %get3A_481 = tpu.memref_slice %arg6[%scan3A_81, %get3A_479, %get3A_480] : memref<4x200x64xbf16, #tpu.memory_space<vmem>> -> memref<1x200x64xbf16, #tpu.memory_space<vmem>>
        %get3A_482 = tpu.memref_squeeze %get3A_481 : memref<1x200x64xbf16, #tpu.memory_space<vmem>> -> memref<200x64xbf16, #tpu.memory_space<vmem>>
        %get3A_483 = arith.index_cast %add3A_478 : i32 to index
        %get3A_484 = arith.constant 32 : index
        %get3A_485 = tpu.vector_load %get3A_482[%get3A_483, %get3A_484] {strides = array<i32>} : memref<200x64xbf16, #tpu.memory_space<vmem>>, vector<32xbf16>,
        %add3A_486 = arith.constant 2 : i32
        %add3A_487 = arith.addi %mul3A_389, %add3A_486 : i32
        %get3A_488 = arith.constant 0 : i32
        %get3A_489 = arith.constant 0 : i32
        %get3A_490 = tpu.memref_slice %arg6[%scan3A_81, %get3A_488, %get3A_489] : memref<4x200x64xbf16, #tpu.memory_space<vmem>> -> memref<1x200x64xbf16, #tpu.memory_space<vmem>>
        %get3A_491 = tpu.memref_squeeze %get3A_490 : memref<1x200x64xbf16, #tpu.memory_space<vmem>> -> memref<200x64xbf16, #tpu.memory_space<vmem>>
        %get3A_492 = arith.index_cast %add3A_487 : i32 to index
        %get3A_493 = arith.constant 32 : index
        %get3A_494 = tpu.vector_load %get3A_491[%get3A_492, %get3A_493] {strides = array<i32>} : memref<200x64xbf16, #tpu.memory_space<vmem>>, vector<32xbf16>,
        %add3A_495 = arith.constant 3 : i32
        %add3A_496 = arith.addi %mul3A_389, %add3A_495 : i32
        %get3A_497 = arith.constant 0 : i32
        %get3A_498 = arith.constant 0 : i32
        %get3A_499 = tpu.memref_slice %arg6[%scan3A_81, %get3A_497, %get3A_498] : memref<4x200x64xbf16, #tpu.memory_space<vmem>> -> memref<1x200x64xbf16, #tpu.memory_space<vmem>>
        %get3A_500 = tpu.memref_squeeze %get3A_499 : memref<1x200x64xbf16, #tpu.memory_space<vmem>> -> memref<200x64xbf16, #tpu.memory_space<vmem>>
        %get3A_501 = arith.index_cast %add3A_496 : i32 to index
        %get3A_502 = arith.constant 32 : index
        %get3A_503 = tpu.vector_load %get3A_500[%get3A_501, %get3A_502] {strides = array<i32>} : memref<200x64xbf16, #tpu.memory_space<vmem>>, vector<32xbf16>,
        %add3A_504 = arith.constant 4 : i32
        %add3A_505 = arith.addi %mul3A_389, %add3A_504 : i32
        %get3A_506 = arith.constant 0 : i32
        %get3A_507 = arith.constant 0 : i32
        %get3A_508 = tpu.memref_slice %arg6[%scan3A_81, %get3A_506, %get3A_507] : memref<4x200x64xbf16, #tpu.memory_space<vmem>> -> memref<1x200x64xbf16, #tpu.memory_space<vmem>>
        %get3A_509 = tpu.memref_squeeze %get3A_508 : memref<1x200x64xbf16, #tpu.memory_space<vmem>> -> memref<200x64xbf16, #tpu.memory_space<vmem>>
        %get3A_510 = arith.index_cast %add3A_505 : i32 to index
        %get3A_511 = arith.constant 32 : index
        %get3A_512 = tpu.vector_load %get3A_509[%get3A_510, %get3A_511] {strides = array<i32>} : memref<200x64xbf16, #tpu.memory_space<vmem>>, vector<32xbf16>,
        %add3A_513 = arith.constant 5 : i32
        %add3A_514 = arith.addi %mul3A_389, %add3A_513 : i32
        %get3A_515 = arith.constant 0 : i32
        %get3A_516 = arith.constant 0 : i32
        %get3A_517 = tpu.memref_slice %arg6[%scan3A_81, %get3A_515, %get3A_516] : memref<4x200x64xbf16, #tpu.memory_space<vmem>> -> memref<1x200x64xbf16, #tpu.memory_space<vmem>>
        %get3A_518 = tpu.memref_squeeze %get3A_517 : memref<1x200x64xbf16, #tpu.memory_space<vmem>> -> memref<200x64xbf16, #tpu.memory_space<vmem>>
        %get3A_519 = arith.index_cast %add3A_514 : i32 to index
        %get3A_520 = arith.constant 32 : index
        %get3A_521 = tpu.vector_load %get3A_518[%get3A_519, %get3A_520] {strides = array<i32>} : memref<200x64xbf16, #tpu.memory_space<vmem>>, vector<32xbf16>,
        %add3A_522 = arith.constant 6 : i32
        %add3A_523 = arith.addi %mul3A_389, %add3A_522 : i32
        %get3A_524 = arith.constant 0 : i32
        %get3A_525 = arith.constant 0 : i32
        %get3A_526 = tpu.memref_slice %arg6[%scan3A_81, %get3A_524, %get3A_525] : memref<4x200x64xbf16, #tpu.memory_space<vmem>> -> memref<1x200x64xbf16, #tpu.memory_space<vmem>>
        %get3A_527 = tpu.memref_squeeze %get3A_526 : memref<1x200x64xbf16, #tpu.memory_space<vmem>> -> memref<200x64xbf16, #tpu.memory_space<vmem>>
        %get3A_528 = arith.index_cast %add3A_523 : i32 to index
        %get3A_529 = arith.constant 32 : index
        %get3A_530 = tpu.vector_load %get3A_527[%get3A_528, %get3A_529] {strides = array<i32>} : memref<200x64xbf16, #tpu.memory_space<vmem>>, vector<32xbf16>,
        %add3A_531 = arith.constant 7 : i32
        %add3A_532 = arith.addi %mul3A_389, %add3A_531 : i32
        %get3A_533 = arith.constant 0 : i32
        %get3A_534 = arith.constant 0 : i32
        %get3A_535 = tpu.memref_slice %arg6[%scan3A_81, %get3A_533, %get3A_534] : memref<4x200x64xbf16, #tpu.memory_space<vmem>> -> memref<1x200x64xbf16, #tpu.memory_space<vmem>>
        %get3A_536 = tpu.memref_squeeze %get3A_535 : memref<1x200x64xbf16, #tpu.memory_space<vmem>> -> memref<200x64xbf16, #tpu.memory_space<vmem>>
        %get3A_537 = arith.index_cast %add3A_532 : i32 to index
        %get3A_538 = arith.constant 32 : index
        %get3A_539 = tpu.vector_load %get3A_536[%get3A_537, %get3A_538] {strides = array<i32>} : memref<200x64xbf16, #tpu.memory_space<vmem>>, vector<32xbf16>,
        %add3A_540 = arith.addf %get3A_476, %get3A_485 : vector<32xbf16>
        %add3A_541 = arith.addf %get3A_494, %get3A_503 : vector<32xbf16>
        %add3A_542 = arith.addf %get3A_512, %get3A_521 : vector<32xbf16>
        %add3A_543 = arith.addf %get3A_530, %get3A_539 : vector<32xbf16>
        %add3A_544 = arith.addf %add3A_540, %add3A_541 : vector<32xbf16>
        %add3A_545 = arith.addf %add3A_542, %add3A_543 : vector<32xbf16>
        %add3A_546 = arith.addf %add3A_544, %add3A_545 : vector<32xbf16>
        %unpack3A = tpu.unpack_subelements %add3A_467, 0 {pack_format = #tpu.pack_format<interleaved>} : vector<32xbf16> -> vector<16xf32>
        %unpack3A_547 = tpu.unpack_subelements %add3A_467, 1 {pack_format = #tpu.pack_format<interleaved>} : vector<32xbf16> -> vector<16xf32>
        %unpack3A_548 = tpu.unpack_subelements %add3A_546, 0 {pack_format = #tpu.pack_format<interleaved>} : vector<32xbf16> -> vector<16xf32>
        %unpack3A_549 = tpu.unpack_subelements %add3A_546, 1 {pack_format = #tpu.pack_format<interleaved>} : vector<32xbf16> -> vector<16xf32>
        %add3A_550 = arith.addf %scan3A_384, %unpack3A : vector<16xf32>
        %add3A_551 = arith.addf %scan3A_385, %unpack3A_547 : vector<16xf32>
        %add3A_552 = arith.addf %scan3A_386, %unpack3A_548 : vector<16xf32>
        %add3A_553 = arith.addf %scan3A_387, %unpack3A_549 : vector<16xf32>
        scf.yield %add3A_550, %add3A_551, %add3A_552, %add3A_553 : vector<16xf32>, vector<16xf32>, vector<16xf32>, vector<16xf32>
      }
      %scan3A_296 = arith.constant 25 : i32
      %mul3A_297 = arith.constant 0 : i32
      %mul3A_298 = vector.broadcast %mul3A_297 : i32 to vector<16xi32>
      %mul3A_299 = arith.muli %iota3A, %mul3A_298 : vector<16xi32>
      %add3A_300 = vector.broadcast %add3A_268 : i32 to vector<16xi32>
      %add3A_301 = arith.addi %mul3A_299, %add3A_300 : vector<16xi32>
      %mul3A_302 = vector.broadcast %scan3A_79 : f32 to vector<16xf32>
      %mul3A_303 = arith.mulf %scan3A_295#0, %mul3A_302 : vector<16xf32>
      tpu.vector_store_idx %arg7[%add3A_301, %mul3A_59], %mul3A_303 : memref<128x64xf32, #tpu.memory_space<vmem>>[vector<16xi32>, vector<16xi32>], vector<16xf32>,
      %mul3A_304 = vector.broadcast %scan3A_79 : f32 to vector<16xf32>
      %mul3A_305 = arith.mulf %scan3A_295#1, %mul3A_304 : vector<16xf32>
      tpu.vector_store_idx %arg7[%add3A_301, %add3A_65], %mul3A_305 : memref<128x64xf32, #tpu.memory_space<vmem>>[vector<16xi32>, vector<16xi32>], vector<16xf32>,
      %mul3A_306 = vector.broadcast %scan3A_79 : f32 to vector<16xf32>
      %mul3A_307 = arith.mulf %scan3A_295#2, %mul3A_306 : vector<16xf32>
      tpu.vector_store_idx %arg7[%add3A_301, %add3A_71], %mul3A_307 : memref<128x64xf32, #tpu.memory_space<vmem>>[vector<16xi32>, vector<16xi32>], vector<16xf32>,
      %mul3A_308 = vector.broadcast %scan3A_79 : f32 to vector<16xf32>
      %mul3A_309 = arith.mulf %scan3A_295#3, %mul3A_308 : vector<16xf32>
      tpu.vector_store_idx %arg7[%add3A_301, %add3A_77], %mul3A_309 : memref<128x64xf32, #tpu.memory_space<vmem>>[vector<16xi32>, vector<16xi32>], vector<16xf32>,
      %add3A_310 = arith.constant 4 : i32
      %add3A_311 = arith.addi %add3A_268, %add3A_310 : i32
      %min3A_312 = arith.constant 127 : i32
      %min3A_313 = arith.minsi %add3A_311, %min3A_312 : i32
      %dma_start3A_314 = arith.constant 0 : i32
      %dma_start3A_315 = arith.constant 0 : i32
      %dma_start3A_316 = tpu.memref_slice %arg6[%scan3A_81, %dma_start3A_314, %dma_start3A_315] : memref<4x200x64xbf16, #tpu.memory_space<vmem>> -> memref<1x200x64xbf16, #tpu.memory_space<vmem>>
      %dma_start3A_317 = tpu.memref_squeeze %dma_start3A_316 : memref<1x200x64xbf16, #tpu.memory_space<vmem>> -> memref<200x64xbf16, #tpu.memory_space<vmem>>
      %dma_start3A_318 = arith.constant 0 : i32
      %dma_start3A_319 = tpu.memref_slice %arg5[%min3A_313, %dma_start3A_318] : memref<128x200xi32, #tpu.memory_space<vmem>> -> memref<1x200xi32, #tpu.memory_space<vmem>>
      %dma_start3A_320 = tpu.memref_squeeze %dma_start3A_319 : memref<1x200xi32, #tpu.memory_space<vmem>> -> memref<200xi32, #tpu.memory_space<vmem>>
      %dma_start3A_321 = arith.constant 0 : i32
      %dma_start3A_322 = arith.constant 0 : i32
      %dma_start3A_323 = tpu.memref_slice %arg3[%dma_start3A_321, %dma_start3A_322] : memref<100000x64xbf16, #tpu.memory_space<hbm>> -> memref<100000x64xbf16, #tpu.memory_space<hbm>>
      tpu.enqueue_indirect_dma source(%dma_start3A_323 : memref<100000x64xbf16, #tpu.memory_space<hbm>>) target(%dma_start3A_317 : memref<200x64xbf16, #tpu.memory_space<vmem>>) offsets(%dma_start3A_320 : memref<200xi32, #tpu.memory_space<vmem>>) semaphore(%arg10 : memref<!tpu.dma_semaphore, #tpu.memory_space<semaphore_mem>>)
      %mul3A_324 = arith.constant 4 : i32
      %mul3A_325 = arith.muli %mul3A_324, %scan3A_147 : i32
      %add3A_326 = arith.constant 3 : i32
      %add3A_327 = arith.addi %mul3A_325, %add3A_326 : i32
      %dma_wait3A_328 = arith.constant 0 : i32
      %dma_wait3A_329 = arith.constant 0 : i32
      %dma_wait3A_330 = tpu.memref_slice %arg6[%scan3A_82, %dma_wait3A_328, %dma_wait3A_329] : memref<4x200x64xbf16, #tpu.memory_space<vmem>> -> memref<1x200x64xbf16, #tpu.memory_space<vmem>>
      %dma_wait3A_331 = tpu.memref_squeeze %dma_wait3A_330 : memref<1x200x64xbf16, #tpu.memory_space<vmem>> -> memref<200x64xbf16, #tpu.memory_space<vmem>>
      %dma_wait3A_332 = arith.constant 0 : i32
      %dma_wait3A_333 = arith.constant 0 : i32
      %dma_wait3A_334 = tpu.memref_slice %arg3[%dma_wait3A_332, %dma_wait3A_333] : memref<100000x64xbf16, #tpu.memory_space<hbm>> -> memref<200x64xbf16, #tpu.memory_space<hbm>>
      %dma_wait3A_335 = arith.constant 0 : i32
      %dma_wait3A_336 = arith.constant 0 : i32
      %dma_wait3A_337 = tpu.memref_slice %arg6[%scan3A_82, %dma_wait3A_335, %dma_wait3A_336] : memref<4x200x64xbf16, #tpu.memory_space<vmem>> -> memref<1x200x64xbf16, #tpu.memory_space<vmem>>
      %dma_wait3A_338 = tpu.memref_squeeze %dma_wait3A_337 : memref<1x200x64xbf16, #tpu.memory_space<vmem>> -> memref<200x64xbf16, #tpu.memory_space<vmem>>
      %dma_wait3A_339 = arith.constant 0 : i32
      %dma_wait3A_340 = arith.constant 0 : i32
      %dma_wait3A_341 = tpu.memref_slice %arg3[%dma_wait3A_339, %dma_wait3A_340] : memref<100000x64xbf16, #tpu.memory_space<hbm>> -> memref<200x64xbf16, #tpu.memory_space<hbm>>
      tpu.wait_dma2 semaphore(%arg11 : memref<!tpu.dma_semaphore, #tpu.memory_space<semaphore_mem>>) src(%dma_wait3A_341 : memref<200x64xbf16, #tpu.memory_space<hbm>>) dst(%dma_wait3A_338 : memref<200x64xbf16, #tpu.memory_space<vmem>>)
      %broadcast_in_dim3A_342 = arith.constant 0.000000e+00 : f32
      %broadcast_in_dim3A_343 = vector.broadcast %broadcast_in_dim3A_342 : f32 to vector<16xf32>
      %broadcast_in_dim3A_344 = arith.constant 0.000000e+00 : f32
      %broadcast_in_dim3A_345 = vector.broadcast %broadcast_in_dim3A_344 : f32 to vector<16xf32>
      %broadcast_in_dim3A_346 = arith.constant 0.000000e+00 : f32
      %broadcast_in_dim3A_347 = vector.broadcast %broadcast_in_dim3A_346 : f32 to vector<16xf32>
      %broadcast_in_dim3A_348 = arith.constant 0.000000e+00 : f32
      %broadcast_in_dim3A_349 = vector.broadcast %broadcast_in_dim3A_348 : f32 to vector<16xf32>
      %scan3A_350 = arith.constant 0 : i32
      %scan3A_351 = arith.constant 25 : i32
      %scan3A_352 = arith.addi %scan3A_350, %scan3A_351 : i32
      %scan3A_353 = arith.constant 1 : i32
      %scan3A_354:4 = scf.for %scan3A_383 = %scan3A_350 to %scan3A_352 step %scan3A_353 iter_args(%scan3A_384 = %broadcast_in_dim3A_343, %scan3A_385 = %broadcast_in_dim3A_345, %scan3A_386 = %broadcast_in_dim3A_347, %scan3A_387 = %broadcast_in_dim3A_349) -> (vector<16xf32>, vector<16xf32>, vector<16xf32>, vector<16xf32>)  : i32 {
        %mul3A_388 = arith.constant 8 : i32
        %mul3A_389 = arith.muli %scan3A_383, %mul3A_388 : i32
        %add3A_390 = arith.constant 0 : i32
        %add3A_391 = arith.addi %mul3A_389, %add3A_390 : i32
        %get3A = arith.constant 0 : i32
        %get3A_392 = arith.constant 0 : i32
        %get3A_393 = tpu.memref_slice %arg6[%scan3A_82, %get3A, %get3A_392] : memref<4x200x64xbf16, #tpu.memory_space<vmem>> -> memref<1x200x64xbf16, #tpu.memory_space<vmem>>
        %get3A_394 = tpu.memref_squeeze %get3A_393 : memref<1x200x64xbf16, #tpu.memory_space<vmem>> -> memref<200x64xbf16, #tpu.memory_space<vmem>>
        %get3A_395 = arith.index_cast %add3A_391 : i32 to index
        %get3A_396 = arith.constant 0 : index
        %get3A_397 = tpu.vector_load %get3A_394[%get3A_395, %get3A_396] {strides = array<i32>} : memref<200x64xbf16, #tpu.memory_space<vmem>>, vector<32xbf16>,
        %add3A_398 = arith.constant 1 : i32
        %add3A_399 = arith.addi %mul3A_389, %add3A_398 : i32
        %get3A_400 = arith.constant 0 : i32
        %get3A_401 = arith.constant 0 : i32
        %get3A_402 = tpu.memref_slice %arg6[%scan3A_82, %get3A_400, %get3A_401] : memref<4x200x64xbf16, #tpu.memory_space<vmem>> -> memref<1x200x64xbf16, #tpu.memory_space<vmem>>
        %get3A_403 = tpu.memref_squeeze %get3A_402 : memref<1x200x64xbf16, #tpu.memory_space<vmem>> -> memref<200x64xbf16, #tpu.memory_space<vmem>>
        %get3A_404 = arith.index_cast %add3A_399 : i32 to index
        %get3A_405 = arith.constant 0 : index
        %get3A_406 = tpu.vector_load %get3A_403[%get3A_404, %get3A_405] {strides = array<i32>} : memref<200x64xbf16, #tpu.memory_space<vmem>>, vector<32xbf16>,
        %add3A_407 = arith.constant 2 : i32
        %add3A_408 = arith.addi %mul3A_389, %add3A_407 : i32
        %get3A_409 = arith.constant 0 : i32
        %get3A_410 = arith.constant 0 : i32
        %get3A_411 = tpu.memref_slice %arg6[%scan3A_82, %get3A_409, %get3A_410] : memref<4x200x64xbf16, #tpu.memory_space<vmem>> -> memref<1x200x64xbf16, #tpu.memory_space<vmem>>
        %get3A_412 = tpu.memref_squeeze %get3A_411 : memref<1x200x64xbf16, #tpu.memory_space<vmem>> -> memref<200x64xbf16, #tpu.memory_space<vmem>>
        %get3A_413 = arith.index_cast %add3A_408 : i32 to index
        %get3A_414 = arith.constant 0 : index
        %get3A_415 = tpu.vector_load %get3A_412[%get3A_413, %get3A_414] {strides = array<i32>} : memref<200x64xbf16, #tpu.memory_space<vmem>>, vector<32xbf16>,
        %add3A_416 = arith.constant 3 : i32
        %add3A_417 = arith.addi %mul3A_389, %add3A_416 : i32
        %get3A_418 = arith.constant 0 : i32
        %get3A_419 = arith.constant 0 : i32
        %get3A_420 = tpu.memref_slice %arg6[%scan3A_82, %get3A_418, %get3A_419] : memref<4x200x64xbf16, #tpu.memory_space<vmem>> -> memref<1x200x64xbf16, #tpu.memory_space<vmem>>
        %get3A_421 = tpu.memref_squeeze %get3A_420 : memref<1x200x64xbf16, #tpu.memory_space<vmem>> -> memref<200x64xbf16, #tpu.memory_space<vmem>>
        %get3A_422 = arith.index_cast %add3A_417 : i32 to index
        %get3A_423 = arith.constant 0 : index
        %get3A_424 = tpu.vector_load %get3A_421[%get3A_422, %get3A_423] {strides = array<i32>} : memref<200x64xbf16, #tpu.memory_space<vmem>>, vector<32xbf16>,
        %add3A_425 = arith.constant 4 : i32
        %add3A_426 = arith.addi %mul3A_389, %add3A_425 : i32
        %get3A_427 = arith.constant 0 : i32
        %get3A_428 = arith.constant 0 : i32
        %get3A_429 = tpu.memref_slice %arg6[%scan3A_82, %get3A_427, %get3A_428] : memref<4x200x64xbf16, #tpu.memory_space<vmem>> -> memref<1x200x64xbf16, #tpu.memory_space<vmem>>
        %get3A_430 = tpu.memref_squeeze %get3A_429 : memref<1x200x64xbf16, #tpu.memory_space<vmem>> -> memref<200x64xbf16, #tpu.memory_space<vmem>>
        %get3A_431 = arith.index_cast %add3A_426 : i32 to index
        %get3A_432 = arith.constant 0 : index
        %get3A_433 = tpu.vector_load %get3A_430[%get3A_431, %get3A_432] {strides = array<i32>} : memref<200x64xbf16, #tpu.memory_space<vmem>>, vector<32xbf16>,
        %add3A_434 = arith.constant 5 : i32
        %add3A_435 = arith.addi %mul3A_389, %add3A_434 : i32
        %get3A_436 = arith.constant 0 : i32
        %get3A_437 = arith.constant 0 : i32
        %get3A_438 = tpu.memref_slice %arg6[%scan3A_82, %get3A_436, %get3A_437] : memref<4x200x64xbf16, #tpu.memory_space<vmem>> -> memref<1x200x64xbf16, #tpu.memory_space<vmem>>
        %get3A_439 = tpu.memref_squeeze %get3A_438 : memref<1x200x64xbf16, #tpu.memory_space<vmem>> -> memref<200x64xbf16, #tpu.memory_space<vmem>>
        %get3A_440 = arith.index_cast %add3A_435 : i32 to index
        %get3A_441 = arith.constant 0 : index
        %get3A_442 = tpu.vector_load %get3A_439[%get3A_440, %get3A_441] {strides = array<i32>} : memref<200x64xbf16, #tpu.memory_space<vmem>>, vector<32xbf16>,
        %add3A_443 = arith.constant 6 : i32
        %add3A_444 = arith.addi %mul3A_389, %add3A_443 : i32
        %get3A_445 = arith.constant 0 : i32
        %get3A_446 = arith.constant 0 : i32
        %get3A_447 = tpu.memref_slice %arg6[%scan3A_82, %get3A_445, %get3A_446] : memref<4x200x64xbf16, #tpu.memory_space<vmem>> -> memref<1x200x64xbf16, #tpu.memory_space<vmem>>
        %get3A_448 = tpu.memref_squeeze %get3A_447 : memref<1x200x64xbf16, #tpu.memory_space<vmem>> -> memref<200x64xbf16, #tpu.memory_space<vmem>>
        %get3A_449 = arith.index_cast %add3A_444 : i32 to index
        %get3A_450 = arith.constant 0 : index
        %get3A_451 = tpu.vector_load %get3A_448[%get3A_449, %get3A_450] {strides = array<i32>} : memref<200x64xbf16, #tpu.memory_space<vmem>>, vector<32xbf16>,
        %add3A_452 = arith.constant 7 : i32
        %add3A_453 = arith.addi %mul3A_389, %add3A_452 : i32
        %get3A_454 = arith.constant 0 : i32
        %get3A_455 = arith.constant 0 : i32
        %get3A_456 = tpu.memref_slice %arg6[%scan3A_82, %get3A_454, %get3A_455] : memref<4x200x64xbf16, #tpu.memory_space<vmem>> -> memref<1x200x64xbf16, #tpu.memory_space<vmem>>
        %get3A_457 = tpu.memref_squeeze %get3A_456 : memref<1x200x64xbf16, #tpu.memory_space<vmem>> -> memref<200x64xbf16, #tpu.memory_space<vmem>>
        %get3A_458 = arith.index_cast %add3A_453 : i32 to index
        %get3A_459 = arith.constant 0 : index
        %get3A_460 = tpu.vector_load %get3A_457[%get3A_458, %get3A_459] {strides = array<i32>} : memref<200x64xbf16, #tpu.memory_space<vmem>>, vector<32xbf16>,
        %add3A_461 = arith.addf %get3A_397, %get3A_406 : vector<32xbf16>
        %add3A_462 = arith.addf %get3A_415, %get3A_424 : vector<32xbf16>
        %add3A_463 = arith.addf %get3A_433, %get3A_442 : vector<32xbf16>
        %add3A_464 = arith.addf %get3A_451, %get3A_460 : vector<32xbf16>
        %add3A_465 = arith.addf %add3A_461, %add3A_462 : vector<32xbf16>
        %add3A_466 = arith.addf %add3A_463, %add3A_464 : vector<32xbf16>
        %add3A_467 = arith.addf %add3A_465, %add3A_466 : vector<32xbf16>
        %add3A_468 = arith.constant 0 : i32
        %add3A_469 = arith.addi %mul3A_389, %add3A_468 : i32
        %get3A_470 = arith.constant 0 : i32
        %get3A_471 = arith.constant 0 : i32
        %get3A_472 = tpu.memref_slice %arg6[%scan3A_82, %get3A_470, %get3A_471] : memref<4x200x64xbf16, #tpu.memory_space<vmem>> -> memref<1x200x64xbf16, #tpu.memory_space<vmem>>
        %get3A_473 = tpu.memref_squeeze %get3A_472 : memref<1x200x64xbf16, #tpu.memory_space<vmem>> -> memref<200x64xbf16, #tpu.memory_space<vmem>>
        %get3A_474 = arith.index_cast %add3A_469 : i32 to index
        %get3A_475 = arith.constant 32 : index
        %get3A_476 = tpu.vector_load %get3A_473[%get3A_474, %get3A_475] {strides = array<i32>} : memref<200x64xbf16, #tpu.memory_space<vmem>>, vector<32xbf16>,
        %add3A_477 = arith.constant 1 : i32
        %add3A_478 = arith.addi %mul3A_389, %add3A_477 : i32
        %get3A_479 = arith.constant 0 : i32
        %get3A_480 = arith.constant 0 : i32
        %get3A_481 = tpu.memref_slice %arg6[%scan3A_82, %get3A_479, %get3A_480] : memref<4x200x64xbf16, #tpu.memory_space<vmem>> -> memref<1x200x64xbf16, #tpu.memory_space<vmem>>
        %get3A_482 = tpu.memref_squeeze %get3A_481 : memref<1x200x64xbf16, #tpu.memory_space<vmem>> -> memref<200x64xbf16, #tpu.memory_space<vmem>>
        %get3A_483 = arith.index_cast %add3A_478 : i32 to index
        %get3A_484 = arith.constant 32 : index
        %get3A_485 = tpu.vector_load %get3A_482[%get3A_483, %get3A_484] {strides = array<i32>} : memref<200x64xbf16, #tpu.memory_space<vmem>>, vector<32xbf16>,
        %add3A_486 = arith.constant 2 : i32
        %add3A_487 = arith.addi %mul3A_389, %add3A_486 : i32
        %get3A_488 = arith.constant 0 : i32
        %get3A_489 = arith.constant 0 : i32
        %get3A_490 = tpu.memref_slice %arg6[%scan3A_82, %get3A_488, %get3A_489] : memref<4x200x64xbf16, #tpu.memory_space<vmem>> -> memref<1x200x64xbf16, #tpu.memory_space<vmem>>
        %get3A_491 = tpu.memref_squeeze %get3A_490 : memref<1x200x64xbf16, #tpu.memory_space<vmem>> -> memref<200x64xbf16, #tpu.memory_space<vmem>>
        %get3A_492 = arith.index_cast %add3A_487 : i32 to index
        %get3A_493 = arith.constant 32 : index
        %get3A_494 = tpu.vector_load %get3A_491[%get3A_492, %get3A_493] {strides = array<i32>} : memref<200x64xbf16, #tpu.memory_space<vmem>>, vector<32xbf16>,
        %add3A_495 = arith.constant 3 : i32
        %add3A_496 = arith.addi %mul3A_389, %add3A_495 : i32
        %get3A_497 = arith.constant 0 : i32
        %get3A_498 = arith.constant 0 : i32
        %get3A_499 = tpu.memref_slice %arg6[%scan3A_82, %get3A_497, %get3A_498] : memref<4x200x64xbf16, #tpu.memory_space<vmem>> -> memref<1x200x64xbf16, #tpu.memory_space<vmem>>
        %get3A_500 = tpu.memref_squeeze %get3A_499 : memref<1x200x64xbf16, #tpu.memory_space<vmem>> -> memref<200x64xbf16, #tpu.memory_space<vmem>>
        %get3A_501 = arith.index_cast %add3A_496 : i32 to index
        %get3A_502 = arith.constant 32 : index
        %get3A_503 = tpu.vector_load %get3A_500[%get3A_501, %get3A_502] {strides = array<i32>} : memref<200x64xbf16, #tpu.memory_space<vmem>>, vector<32xbf16>,
        %add3A_504 = arith.constant 4 : i32
        %add3A_505 = arith.addi %mul3A_389, %add3A_504 : i32
        %get3A_506 = arith.constant 0 : i32
        %get3A_507 = arith.constant 0 : i32
        %get3A_508 = tpu.memref_slice %arg6[%scan3A_82, %get3A_506, %get3A_507] : memref<4x200x64xbf16, #tpu.memory_space<vmem>> -> memref<1x200x64xbf16, #tpu.memory_space<vmem>>
        %get3A_509 = tpu.memref_squeeze %get3A_508 : memref<1x200x64xbf16, #tpu.memory_space<vmem>> -> memref<200x64xbf16, #tpu.memory_space<vmem>>
        %get3A_510 = arith.index_cast %add3A_505 : i32 to index
        %get3A_511 = arith.constant 32 : index
        %get3A_512 = tpu.vector_load %get3A_509[%get3A_510, %get3A_511] {strides = array<i32>} : memref<200x64xbf16, #tpu.memory_space<vmem>>, vector<32xbf16>,
        %add3A_513 = arith.constant 5 : i32
        %add3A_514 = arith.addi %mul3A_389, %add3A_513 : i32
        %get3A_515 = arith.constant 0 : i32
        %get3A_516 = arith.constant 0 : i32
        %get3A_517 = tpu.memref_slice %arg6[%scan3A_82, %get3A_515, %get3A_516] : memref<4x200x64xbf16, #tpu.memory_space<vmem>> -> memref<1x200x64xbf16, #tpu.memory_space<vmem>>
        %get3A_518 = tpu.memref_squeeze %get3A_517 : memref<1x200x64xbf16, #tpu.memory_space<vmem>> -> memref<200x64xbf16, #tpu.memory_space<vmem>>
        %get3A_519 = arith.index_cast %add3A_514 : i32 to index
        %get3A_520 = arith.constant 32 : index
        %get3A_521 = tpu.vector_load %get3A_518[%get3A_519, %get3A_520] {strides = array<i32>} : memref<200x64xbf16, #tpu.memory_space<vmem>>, vector<32xbf16>,
        %add3A_522 = arith.constant 6 : i32
        %add3A_523 = arith.addi %mul3A_389, %add3A_522 : i32
        %get3A_524 = arith.constant 0 : i32
        %get3A_525 = arith.constant 0 : i32
        %get3A_526 = tpu.memref_slice %arg6[%scan3A_82, %get3A_524, %get3A_525] : memref<4x200x64xbf16, #tpu.memory_space<vmem>> -> memref<1x200x64xbf16, #tpu.memory_space<vmem>>
        %get3A_527 = tpu.memref_squeeze %get3A_526 : memref<1x200x64xbf16, #tpu.memory_space<vmem>> -> memref<200x64xbf16, #tpu.memory_space<vmem>>
        %get3A_528 = arith.index_cast %add3A_523 : i32 to index
        %get3A_529 = arith.constant 32 : index
        %get3A_530 = tpu.vector_load %get3A_527[%get3A_528, %get3A_529] {strides = array<i32>} : memref<200x64xbf16, #tpu.memory_space<vmem>>, vector<32xbf16>,
        %add3A_531 = arith.constant 7 : i32
        %add3A_532 = arith.addi %mul3A_389, %add3A_531 : i32
        %get3A_533 = arith.constant 0 : i32
        %get3A_534 = arith.constant 0 : i32
        %get3A_535 = tpu.memref_slice %arg6[%scan3A_82, %get3A_533, %get3A_534] : memref<4x200x64xbf16, #tpu.memory_space<vmem>> -> memref<1x200x64xbf16, #tpu.memory_space<vmem>>
        %get3A_536 = tpu.memref_squeeze %get3A_535 : memref<1x200x64xbf16, #tpu.memory_space<vmem>> -> memref<200x64xbf16, #tpu.memory_space<vmem>>
        %get3A_537 = arith.index_cast %add3A_532 : i32 to index
        %get3A_538 = arith.constant 32 : index
        %get3A_539 = tpu.vector_load %get3A_536[%get3A_537, %get3A_538] {strides = array<i32>} : memref<200x64xbf16, #tpu.memory_space<vmem>>, vector<32xbf16>,
        %add3A_540 = arith.addf %get3A_476, %get3A_485 : vector<32xbf16>
        %add3A_541 = arith.addf %get3A_494, %get3A_503 : vector<32xbf16>
        %add3A_542 = arith.addf %get3A_512, %get3A_521 : vector<32xbf16>
        %add3A_543 = arith.addf %get3A_530, %get3A_539 : vector<32xbf16>
        %add3A_544 = arith.addf %add3A_540, %add3A_541 : vector<32xbf16>
        %add3A_545 = arith.addf %add3A_542, %add3A_543 : vector<32xbf16>
        %add3A_546 = arith.addf %add3A_544, %add3A_545 : vector<32xbf16>
        %unpack3A = tpu.unpack_subelements %add3A_467, 0 {pack_format = #tpu.pack_format<interleaved>} : vector<32xbf16> -> vector<16xf32>
        %unpack3A_547 = tpu.unpack_subelements %add3A_467, 1 {pack_format = #tpu.pack_format<interleaved>} : vector<32xbf16> -> vector<16xf32>
        %unpack3A_548 = tpu.unpack_subelements %add3A_546, 0 {pack_format = #tpu.pack_format<interleaved>} : vector<32xbf16> -> vector<16xf32>
        %unpack3A_549 = tpu.unpack_subelements %add3A_546, 1 {pack_format = #tpu.pack_format<interleaved>} : vector<32xbf16> -> vector<16xf32>
        %add3A_550 = arith.addf %scan3A_384, %unpack3A : vector<16xf32>
        %add3A_551 = arith.addf %scan3A_385, %unpack3A_547 : vector<16xf32>
        %add3A_552 = arith.addf %scan3A_386, %unpack3A_548 : vector<16xf32>
        %add3A_553 = arith.addf %scan3A_387, %unpack3A_549 : vector<16xf32>
        scf.yield %add3A_550, %add3A_551, %add3A_552, %add3A_553 : vector<16xf32>, vector<16xf32>, vector<16xf32>, vector<16xf32>
      }
      %scan3A_355 = arith.constant 25 : i32
      %mul3A_356 = arith.constant 0 : i32
      %mul3A_357 = vector.broadcast %mul3A_356 : i32 to vector<16xi32>
      %mul3A_358 = arith.muli %iota3A, %mul3A_357 : vector<16xi32>
      %add3A_359 = vector.broadcast %add3A_327 : i32 to vector<16xi32>
      %add3A_360 = arith.addi %mul3A_358, %add3A_359 : vector<16xi32>
      %mul3A_361 = vector.broadcast %scan3A_79 : f32 to vector<16xf32>
      %mul3A_362 = arith.mulf %scan3A_354#0, %mul3A_361 : vector<16xf32>
      tpu.vector_store_idx %arg7[%add3A_360, %mul3A_59], %mul3A_362 : memref<128x64xf32, #tpu.memory_space<vmem>>[vector<16xi32>, vector<16xi32>], vector<16xf32>,
      %mul3A_363 = vector.broadcast %scan3A_79 : f32 to vector<16xf32>
      %mul3A_364 = arith.mulf %scan3A_354#1, %mul3A_363 : vector<16xf32>
      tpu.vector_store_idx %arg7[%add3A_360, %add3A_65], %mul3A_364 : memref<128x64xf32, #tpu.memory_space<vmem>>[vector<16xi32>, vector<16xi32>], vector<16xf32>,
      %mul3A_365 = vector.broadcast %scan3A_79 : f32 to vector<16xf32>
      %mul3A_366 = arith.mulf %scan3A_354#2, %mul3A_365 : vector<16xf32>
      tpu.vector_store_idx %arg7[%add3A_360, %add3A_71], %mul3A_366 : memref<128x64xf32, #tpu.memory_space<vmem>>[vector<16xi32>, vector<16xi32>], vector<16xf32>,
      %mul3A_367 = vector.broadcast %scan3A_79 : f32 to vector<16xf32>
      %mul3A_368 = arith.mulf %scan3A_354#3, %mul3A_367 : vector<16xf32>
      tpu.vector_store_idx %arg7[%add3A_360, %add3A_77], %mul3A_368 : memref<128x64xf32, #tpu.memory_space<vmem>>[vector<16xi32>, vector<16xi32>], vector<16xf32>,
      %add3A_369 = arith.constant 4 : i32
      %add3A_370 = arith.addi %add3A_327, %add3A_369 : i32
      %min3A_371 = arith.constant 127 : i32
      %min3A_372 = arith.minsi %add3A_370, %min3A_371 : i32
      %dma_start3A_373 = arith.constant 0 : i32
      %dma_start3A_374 = arith.constant 0 : i32
      %dma_start3A_375 = tpu.memref_slice %arg6[%scan3A_82, %dma_start3A_373, %dma_start3A_374] : memref<4x200x64xbf16, #tpu.memory_space<vmem>> -> memref<1x200x64xbf16, #tpu.memory_space<vmem>>
      %dma_start3A_376 = tpu.memref_squeeze %dma_start3A_375 : memref<1x200x64xbf16, #tpu.memory_space<vmem>> -> memref<200x64xbf16, #tpu.memory_space<vmem>>
      %dma_start3A_377 = arith.constant 0 : i32
      %dma_start3A_378 = tpu.memref_slice %arg5[%min3A_372, %dma_start3A_377] : memref<128x200xi32, #tpu.memory_space<vmem>> -> memref<1x200xi32, #tpu.memory_space<vmem>>
      %dma_start3A_379 = tpu.memref_squeeze %dma_start3A_378 : memref<1x200xi32, #tpu.memory_space<vmem>> -> memref<200xi32, #tpu.memory_space<vmem>>
      %dma_start3A_380 = arith.constant 0 : i32
      %dma_start3A_381 = arith.constant 0 : i32
      %dma_start3A_382 = tpu.memref_slice %arg3[%dma_start3A_380, %dma_start3A_381] : memref<100000x64xbf16, #tpu.memory_space<hbm>> -> memref<100000x64xbf16, #tpu.memory_space<hbm>>
      tpu.enqueue_indirect_dma source(%dma_start3A_382 : memref<100000x64xbf16, #tpu.memory_space<hbm>>) target(%dma_start3A_376 : memref<200x64xbf16, #tpu.memory_space<vmem>>) offsets(%dma_start3A_379 : memref<200xi32, #tpu.memory_space<vmem>>) semaphore(%arg11 : memref<!tpu.dma_semaphore, #tpu.memory_space<semaphore_mem>>)
    }
    %scan3A_87 = arith.constant 32 : i32
    %dma_wait3A = arith.constant 0 : i32
    %dma_wait3A_88 = arith.constant 0 : i32
    %dma_wait3A_89 = arith.constant 0 : i32
    %dma_wait3A_90 = tpu.memref_slice %arg6[%dma_wait3A, %dma_wait3A_88, %dma_wait3A_89] : memref<4x200x64xbf16, #tpu.memory_space<vmem>> -> memref<1x200x64xbf16, #tpu.memory_space<vmem>>
    %dma_wait3A_91 = tpu.memref_squeeze %dma_wait3A_90 : memref<1x200x64xbf16, #tpu.memory_space<vmem>> -> memref<200x64xbf16, #tpu.memory_space<vmem>>
    %dma_wait3A_92 = arith.constant 0 : i32
    %dma_wait3A_93 = arith.constant 0 : i32
    %dma_wait3A_94 = tpu.memref_slice %arg3[%dma_wait3A_92, %dma_wait3A_93] : memref<100000x64xbf16, #tpu.memory_space<hbm>> -> memref<200x64xbf16, #tpu.memory_space<hbm>>
    %dma_wait3A_95 = arith.constant 0 : i32
    %dma_wait3A_96 = arith.constant 0 : i32
    %dma_wait3A_97 = tpu.memref_slice %arg6[%dma_wait3A, %dma_wait3A_95, %dma_wait3A_96] : memref<4x200x64xbf16, #tpu.memory_space<vmem>> -> memref<1x200x64xbf16, #tpu.memory_space<vmem>>
    %dma_wait3A_98 = tpu.memref_squeeze %dma_wait3A_97 : memref<1x200x64xbf16, #tpu.memory_space<vmem>> -> memref<200x64xbf16, #tpu.memory_space<vmem>>
    %dma_wait3A_99 = arith.constant 0 : i32
    %dma_wait3A_100 = arith.constant 0 : i32
    %dma_wait3A_101 = tpu.memref_slice %arg3[%dma_wait3A_99, %dma_wait3A_100] : memref<100000x64xbf16, #tpu.memory_space<hbm>> -> memref<200x64xbf16, #tpu.memory_space<hbm>>
    tpu.wait_dma2 semaphore(%arg8 : memref<!tpu.dma_semaphore, #tpu.memory_space<semaphore_mem>>) src(%dma_wait3A_101 : memref<200x64xbf16, #tpu.memory_space<hbm>>) dst(%dma_wait3A_98 : memref<200x64xbf16, #tpu.memory_space<vmem>>)
    %dma_wait3A_102 = arith.constant 1 : i32
    %dma_wait3A_103 = arith.constant 0 : i32
    %dma_wait3A_104 = arith.constant 0 : i32
    %dma_wait3A_105 = tpu.memref_slice %arg6[%dma_wait3A_102, %dma_wait3A_103, %dma_wait3A_104] : memref<4x200x64xbf16, #tpu.memory_space<vmem>> -> memref<1x200x64xbf16, #tpu.memory_space<vmem>>
    %dma_wait3A_106 = tpu.memref_squeeze %dma_wait3A_105 : memref<1x200x64xbf16, #tpu.memory_space<vmem>> -> memref<200x64xbf16, #tpu.memory_space<vmem>>
    %dma_wait3A_107 = arith.constant 0 : i32
    %dma_wait3A_108 = arith.constant 0 : i32
    %dma_wait3A_109 = tpu.memref_slice %arg3[%dma_wait3A_107, %dma_wait3A_108] : memref<100000x64xbf16, #tpu.memory_space<hbm>> -> memref<200x64xbf16, #tpu.memory_space<hbm>>
    %dma_wait3A_110 = arith.constant 0 : i32
    %dma_wait3A_111 = arith.constant 0 : i32
    %dma_wait3A_112 = tpu.memref_slice %arg6[%dma_wait3A_102, %dma_wait3A_110, %dma_wait3A_111] : memref<4x200x64xbf16, #tpu.memory_space<vmem>> -> memref<1x200x64xbf16, #tpu.memory_space<vmem>>
    %dma_wait3A_113 = tpu.memref_squeeze %dma_wait3A_112 : memref<1x200x64xbf16, #tpu.memory_space<vmem>> -> memref<200x64xbf16, #tpu.memory_space<vmem>>
    %dma_wait3A_114 = arith.constant 0 : i32
    %dma_wait3A_115 = arith.constant 0 : i32
    %dma_wait3A_116 = tpu.memref_slice %arg3[%dma_wait3A_114, %dma_wait3A_115] : memref<100000x64xbf16, #tpu.memory_space<hbm>> -> memref<200x64xbf16, #tpu.memory_space<hbm>>
    tpu.wait_dma2 semaphore(%arg9 : memref<!tpu.dma_semaphore, #tpu.memory_space<semaphore_mem>>) src(%dma_wait3A_116 : memref<200x64xbf16, #tpu.memory_space<hbm>>) dst(%dma_wait3A_113 : memref<200x64xbf16, #tpu.memory_space<vmem>>)
    %dma_wait3A_117 = arith.constant 2 : i32
    %dma_wait3A_118 = arith.constant 0 : i32
    %dma_wait3A_119 = arith.constant 0 : i32
    %dma_wait3A_120 = tpu.memref_slice %arg6[%dma_wait3A_117, %dma_wait3A_118, %dma_wait3A_119] : memref<4x200x64xbf16, #tpu.memory_space<vmem>> -> memref<1x200x64xbf16, #tpu.memory_space<vmem>>
    %dma_wait3A_121 = tpu.memref_squeeze %dma_wait3A_120 : memref<1x200x64xbf16, #tpu.memory_space<vmem>> -> memref<200x64xbf16, #tpu.memory_space<vmem>>
    %dma_wait3A_122 = arith.constant 0 : i32
    %dma_wait3A_123 = arith.constant 0 : i32
    %dma_wait3A_124 = tpu.memref_slice %arg3[%dma_wait3A_122, %dma_wait3A_123] : memref<100000x64xbf16, #tpu.memory_space<hbm>> -> memref<200x64xbf16, #tpu.memory_space<hbm>>
    %dma_wait3A_125 = arith.constant 0 : i32
    %dma_wait3A_126 = arith.constant 0 : i32
    %dma_wait3A_127 = tpu.memref_slice %arg6[%dma_wait3A_117, %dma_wait3A_125, %dma_wait3A_126] : memref<4x200x64xbf16, #tpu.memory_space<vmem>> -> memref<1x200x64xbf16, #tpu.memory_space<vmem>>
    %dma_wait3A_128 = tpu.memref_squeeze %dma_wait3A_127 : memref<1x200x64xbf16, #tpu.memory_space<vmem>> -> memref<200x64xbf16, #tpu.memory_space<vmem>>
    %dma_wait3A_129 = arith.constant 0 : i32
    %dma_wait3A_130 = arith.constant 0 : i32
    %dma_wait3A_131 = tpu.memref_slice %arg3[%dma_wait3A_129, %dma_wait3A_130] : memref<100000x64xbf16, #tpu.memory_space<hbm>> -> memref<200x64xbf16, #tpu.memory_space<hbm>>
    tpu.wait_dma2 semaphore(%arg10 : memref<!tpu.dma_semaphore, #tpu.memory_space<semaphore_mem>>) src(%dma_wait3A_131 : memref<200x64xbf16, #tpu.memory_space<hbm>>) dst(%dma_wait3A_128 : memref<200x64xbf16, #tpu.memory_space<vmem>>)
    %dma_wait3A_132 = arith.constant 3 : i32
    %dma_wait3A_133 = arith.constant 0 : i32
    %dma_wait3A_134 = arith.constant 0 : i32
    %dma_wait3A_135 = tpu.memref_slice %arg6[%dma_wait3A_132, %dma_wait3A_133, %dma_wait3A_134] : memref<4x200x64xbf16, #tpu.memory_space<vmem>> -> memref<1x200x64xbf16, #tpu.memory_space<vmem>>
    %dma_wait3A_136 = tpu.memref_squeeze %dma_wait3A_135 : memref<1x200x64xbf16, #tpu.memory_space<vmem>> -> memref<200x64xbf16, #tpu.memory_space<vmem>>
    %dma_wait3A_137 = arith.constant 0 : i32
    %dma_wait3A_138 = arith.constant 0 : i32
    %dma_wait3A_139 = tpu.memref_slice %arg3[%dma_wait3A_137, %dma_wait3A_138] : memref<100000x64xbf16, #tpu.memory_space<hbm>> -> memref<200x64xbf16, #tpu.memory_space<hbm>>
    %dma_wait3A_140 = arith.constant 0 : i32
    %dma_wait3A_141 = arith.constant 0 : i32
    %dma_wait3A_142 = tpu.memref_slice %arg6[%dma_wait3A_132, %dma_wait3A_140, %dma_wait3A_141] : memref<4x200x64xbf16, #tpu.memory_space<vmem>> -> memref<1x200x64xbf16, #tpu.memory_space<vmem>>
    %dma_wait3A_143 = tpu.memref_squeeze %dma_wait3A_142 : memref<1x200x64xbf16, #tpu.memory_space<vmem>> -> memref<200x64xbf16, #tpu.memory_space<vmem>>
    %dma_wait3A_144 = arith.constant 0 : i32
    %dma_wait3A_145 = arith.constant 0 : i32
    %dma_wait3A_146 = tpu.memref_slice %arg3[%dma_wait3A_144, %dma_wait3A_145] : memref<100000x64xbf16, #tpu.memory_space<hbm>> -> memref<200x64xbf16, #tpu.memory_space<hbm>>
    tpu.wait_dma2 semaphore(%arg11 : memref<!tpu.dma_semaphore, #tpu.memory_space<semaphore_mem>>) src(%dma_wait3A_146 : memref<200x64xbf16, #tpu.memory_space<hbm>>) dst(%dma_wait3A_143 : memref<200x64xbf16, #tpu.memory_space<vmem>>)
    "tpu.region"() ({
      %run_scoped3A = tpu.sem_alloc : memref<!tpu.dma_semaphore, #tpu.memory_space<semaphore_mem>>
      %dma_start3A_147 = arith.constant 0 : i32
      %dma_start3A_148 = tpu.memref_slice %arg4[%mul3A_2, %dma_start3A_147] : memref<4096x64xf32, #tpu.memory_space<hbm>> -> memref<128x64xf32, #tpu.memory_space<hbm>>
      %dma_start3A_149 = arith.constant 0 : i32
      %dma_start3A_150 = tpu.memref_slice %arg4[%mul3A_2, %dma_start3A_149] : memref<4096x64xf32, #tpu.memory_space<hbm>> -> memref<128x64xf32, #tpu.memory_space<hbm>>
      tpu.enqueue_dma source(%arg7 : memref<128x64xf32, #tpu.memory_space<vmem>>) target(%dma_start3A_150 : memref<128x64xf32, #tpu.memory_space<hbm>>) target_semaphore(%run_scoped3A : memref<!tpu.dma_semaphore, #tpu.memory_space<semaphore_mem>>)
      %dma_wait3A_151 = arith.constant 0 : i32
      %dma_wait3A_152 = tpu.memref_slice %arg4[%mul3A_2, %dma_wait3A_151] : memref<4096x64xf32, #tpu.memory_space<hbm>> -> memref<128x64xf32, #tpu.memory_space<hbm>>
      %dma_wait3A_153 = arith.constant 0 : i32
      %dma_wait3A_154 = tpu.memref_slice %arg4[%mul3A_2, %dma_wait3A_153] : memref<4096x64xf32, #tpu.memory_space<hbm>> -> memref<128x64xf32, #tpu.memory_space<hbm>>
      tpu.wait_dma2 semaphore(%run_scoped3A : memref<!tpu.dma_semaphore, #tpu.memory_space<semaphore_mem>>) src(%arg7 : memref<128x64xf32, #tpu.memory_space<vmem>>) dst(%dma_wait3A_154 : memref<128x64xf32, #tpu.memory_space<hbm>>)
      tpu.yield
    }) : () -> ()
    return
  }
}

</mosaic_0001>

<sc_bundles>
// kernel: kernel.3.cloned.1.call-start
scs
__scs_entry_jumppad:
0x0: {  	(pc) =	sbr.rel $0x88, $3  }
0x1: {  	(tag) =	ssettag $0x0;
	lr =	simm.s32 $0x1  }
0x2: {  	[smem:$0x3F9F] =	sst lr;
	_ =	strace $0xD0000000  }
0x3: {  	_ = 	snop  }
0x4: {  	_ = 	snop  }
0x5: {  	_ = 	snop  }
0x6: {  	_ = 	snop  }
0x7: {  	_ = 	snop  }
__scs_overlays_trampoline_lowered:
0x8: {  	[smem:$0x3FAE] =	sst s0  }
0x9: {  	[smem:$0x3FAF] =	sst s1  }
0xa: {  	[smem:$0x3FB0] =	sst s2  }
0xb: {  	[smem:$0x3FB1] =	sst s3  }
0xc: {  	[smem:$0x3FB2] =	sst s4  }
0xd: {  	[smem:$0x3FB3] =	sst s5  }
0xe: {  	[smem:$0x3FB4] =	sst s6  }
0xf: {  	[smem:$0x3FB5] =	sst s7  }
0x10: {  	[smem:$0x3FB6] =	sst s8  }
0x11: {  	[smem:$0x3FB7] =	sst s9;
	s0 =	simm.s32 @!p0 $0x0  }
0x12: {  	s1 =	sld [smem:$0x3F9D];
	s0 =	simm.s32 @p0 $0x1  }
0x13: {  	[smem:$0x3FB8] =	sst s0;
	s0 =	simm.s32 @!p1 $0x0  }
0x14: {  	s2 =	sld [smem:$0x3F9C];
	s0 =	simm.s32 @p1 $0x1  }
0x15: {  	[smem:$0x3FB9] =	sst s0;
	s0 =	simm.s32 @!p2 $0x0  }
0x16: {  	s3 =	sld [smem:$0x3FDB];
	s0 =	simm.s32 @p2 $0x1  }
0x17: {  	s4 =	simm.s32 $0x1BF5;
	[smem:$0x3FBB] =	sst s0  }
0x18: {  	s0 =	sld [smem:$0x3F9E];
	_ =	swait.ge [sflag:s4], $0x0  }
0x19: {  	s7 =	sld [smem:$0x3F9F]  }
0x1a: {  	s8 =	sadd.s32 $0xFFFFE003, lr  }
0x1b: {  	s9 =	sadd.s32 $0xFFFFFEF7, lr;
	s5 =	simm.s32 $0xFFFFFFFF;
	p2 =	slt.u32 s8, $0xFFFFF086  }
0x1c: {  	p1 =	slt.u32 s9, $0xF7A;
	s5 =	simm.s32 @!p2 $0x0  }
0x1d: {  	s5 =	simm.s32 @p1 $0x1;
	p0 =	seq.s32 s7, s2  }
0x1e: {  	s7 =	smul.u32 @!p0 $0xF7A, s2;
	p2 =	seq.s32 @!p0 s5, $0x0  }
0x1f: {  	s9 =	smul.u32 $0xF7A, s1;
	s8 =	simm.s32 @!p0 $0x1BF5;
	p2 =	por !p2, p0  }
0x20: {  	[sflag:s8] =	ssyncset.s32 @!p0 $0xFFFFF086;
	s6 =	sadd.s32 @!p0 s3, s7;
	s7 =	simm.s32 @!p0 $0x108  }
0x21: {  	s3 =	sadd.s32 s3, s9;
	s6 =	sadd.s32 @!p0 $0x88, s6;
	s7 =	simm.s32 @p2 $0x1082  }
0x22: {  	[simem:s7], [sflag:s8] =	dma.local @!p0 [hbm:s6], $0xF7A  }
0x23: {  	s9 =	sor.u32 $0xD0000000, s2;
	s6 =	simm.s32 $0x108;
	_ =	swait.ge @!p0 [sflag:s8], $0x0  }
0x24: {  	s3 =	sadd.s32 $0x88, s3;
	s6 =	simm.s32 @!p1 $0x1082;
	[sflag:s4] =	ssyncset.s32 $0xFFFFF086  }
0x25: {  	[simem:s6], [sflag:s4] =	dma.local [hbm:s3], $0xF7A  }
0x26: {  	[smem:$0x3F9F] =	sst s1;
	(tag) =	ssettag s2;
	_ =	strace s9  }
0x27: {  	s1 =	sld [smem:$0x3FAF]  }
0x28: {  	s2 =	sld [smem:$0x3FB0]  }
0x29: {  	s4 =	sld [smem:$0x3FB2]  }
0x2a: {  	p0 =	seq.s32 s5, $0x0;
	s5 =	sld [smem:$0x3FB3]  }
0x2b: {  	s6 =	sld [smem:$0x3FB4]  }
0x2c: {  	s7 =	sld [smem:$0x3FB5]  }
0x2d: {  	s3 =	simm.s32 $0x108;
	s8 =	sld [smem:$0x3FB6]  }
0x2e: {  	s3 =	simm.s32 @!p0 $0x1082;
	s9 =	sld [smem:$0x3FB7]  }
0x2f: {  	lr =	sadd.s32 s0, s3;
	s0 =	sld [smem:$0x3FAE]  }
0x30: {  	s3 =	sld [smem:$0x3FB1]  }
0x31: {  	[smem:$0x3FBA] =	sst s10  }
0x32: {  	s10 =	sld [smem:$0x3FB8];
	_ =	sdelay $0x3  }
0x33: {  	p0 =	seq.s32 s10, $0x1;
	s10 =	sld [smem:$0x3FBA];
	_ =	sdelay $0x3  }
0x34: {  	[smem:$0x3FBA] =	sst s10  }
0x35: {  	s10 =	sld [smem:$0x3FB9];
	_ =	sdelay $0x3  }
0x36: {  	p1 =	seq.s32 s10, $0x1;
	s10 =	sld [smem:$0x3FBA];
	_ =	sdelay $0x3  }
0x37: {  	[smem:$0x3FBA] =	sst s10  }
0x38: {  	s10 =	sld [smem:$0x3FBB]  }
0x39: {  	_ = 	snop;
	(pc) =	sbr.ind lr, $3  }
0x3a: {  	_ = 	snop  }
0x3b: {  	_ = 	snop  }
0x3c: {  	p2 =	seq.s32 s10, $0x1;
	s10 =	sld [smem:$0x3FBA]  }
0x3d: {  	_ =	shalt  }
0x3e: {  	_ =	shalt  }
0x3f: {  	_ =	shalt  }
0x40: {  	_ =	shalt  }
0x41: {  	_ =	shalt  }
0x42: {  	_ =	shalt  }
0x43: {  	_ =	shalt  }
0x44: {  	_ =	shalt  }
0x45: {  	_ =	shalt  }
0x46: {  	_ =	shalt  }
0x47: {  	_ =	shalt  }
0x48: {  	_ =	shalt  }
0x49: {  	_ =	shalt  }
0x4a: {  	_ =	shalt  }
0x4b: {  	_ =	shalt  }
0x4c: {  	_ =	shalt  }
0x4d: {  	_ =	shalt  }
0x4e: {  	_ =	shalt  }
0x4f: {  	_ =	shalt  }
0x50: {  	_ =	shalt  }
0x51: {  	_ =	shalt  }
0x52: {  	_ =	shalt  }
0x53: {  	_ =	shalt  }
0x54: {  	_ =	shalt  }
0x55: {  	_ =	shalt  }
0x56: {  	_ =	shalt  }
0x57: {  	_ =	shalt  }
0x58: {  	_ =	shalt  }
0x59: {  	_ =	shalt  }
0x5a: {  	_ =	shalt  }
0x5b: {  	_ =	shalt  }
0x5c: {  	_ =	shalt  }
0x5d: {  	_ =	shalt  }
0x5e: {  	_ =	shalt  }
0x5f: {  	_ =	shalt  }
0x60: {  	_ =	shalt  }
0x61: {  	_ =	shalt  }
0x62: {  	_ =	shalt  }
0x63: {  	_ =	shalt  }
0x64: {  	_ =	shalt  }
0x65: {  	_ =	shalt  }
0x66: {  	_ =	shalt  }
0x67: {  	_ =	shalt  }
0x68: {  	_ =	shalt  }
0x69: {  	_ =	shalt  }
0x6a: {  	_ =	shalt  }
0x6b: {  	_ =	shalt  }
0x6c: {  	_ =	shalt  }
0x6d: {  	_ =	shalt  }
0x6e: {  	_ =	shalt  }
0x6f: {  	_ =	shalt  }
0x70: {  	_ =	shalt  }
0x71: {  	_ =	shalt  }
0x72: {  	_ =	shalt  }
0x73: {  	_ =	shalt  }
0x74: {  	_ =	shalt  }
0x75: {  	_ =	shalt  }
0x76: {  	_ =	shalt  }
0x77: {  	_ =	shalt  }
0x78: {  	_ =	shalt  }
0x79: {  	_ =	shalt  }
0x7a: {  	_ =	shalt  }
0x7b: {  	_ =	shalt  }
0x7c: {  	_ =	shalt  }
0x7d: {  	_ =	shalt  }
0x7e: {  	_ =	shalt  }
0x7f: {  	_ =	shalt  }
0x80: {  	_ =	shalt  }
0x81: {  	_ =	shalt  }
0x82: {  	_ =	shalt  }
0x83: {  	_ =	shalt  }
0x84: {  	_ =	shalt  }
0x85: {  	_ =	shalt  }
0x86: {  	_ =	shalt  }
0x87: {  	_ =	shalt  }
.Lfunc_end0:
.L_simem_size_0:
called_computation_lowered:
.L_overlay_start_0:
0x88: {  	s2 =	sld [smem:$0x3FD9]  }
0x89: {  	s3 =	sld [smem:$0x3FFE];
	_ =	sdelay $0x1  }
0x8a: {  	s1 =	srdreg.scid  }
0x8b: {  	s0 =	sand.u32 $0x1, s1  }
0x8c: {  	s17 =	sshll.u32 s0, $0xA;
	s2 =	sadd.s32 s3, s2  }
0x8d: {  	s2 =	sadd.s32 s2, s17  }
0x8e: {  	[smem:$0x3FC6] =	sst s2  }
0x8f: {  	_ = 	snop  }
0x90: {  	s2 =	sld [smem:$0x3FD0];
	(tm) =	ssettm $0x1  }
0x91: {  	s18 =	sld [smem:$0x3FFB];
	_ =	sdelay $0x3  }
0x92: {  	_ =	strace s18  }
0x93: {  	s3 =	sld [smem:$0x3FFC];
	_ =	sdelay $0x3  }
0x94: {  	_ =	strace s3  }
0x95: {  	s3 =	sld [smem:$0x3FFD];
	_ =	sdelay $0x3  }
0x96: {  	_ =	strace s3  }
0x97: {  	_ =	strace $0x8FFFFFFF  }
0x98: {  	s19 =	sld [smem:$0x3FDB];
	_ =	sdelay $0x1  }
0x99: {  	s4 =	simm.s32 $_scs_section_size  }
0x9a: {  	s5 =	simm.s32 $_size__tile_overlayer_lowered;
	s6 =	simm.s32 $_tile_overlayer_lowered  }
0x9b: {  	s22 =	simm.s32 $0x1BFF;
	s21 =	sshll.u32 s6, $0x1;
	s3 =	sadd.s32 s4, s19  }
0x9c: {  	s7 =	simm.s32 $0x0;
	s20 =	sshll.u32 s5, $0x1;
	s5 =	sadd.s32 s21, s3  }
0x9d: {  	[timem:s7], [sflag:s22] =	dma.local [hbm:s5], s20  }
0x9e: {  	_ =	swait.ge [sflag:s22], s20  }
0x9f: {  	s4 =	ssub.s32 $0x0, s20;
	[sflag:s22] =	ssyncset.done $0x0  }
0xa0: {  	[sflag:s22] =	ssyncadd.s32 s4;
	_ =	sdelay $0x1  }
0xa1: {  	s23 =	simm.s32 $0x1B8B  }
0xa2: {  	_ =	swait.ge [sflag:s23], $0x1  }
0xa3: {  	[sflag:s23] =	ssyncset.done $0x0  }
0xa4: {  	s25 =	simm.s32 $0x1B8E;
	s24 =	sld [smem:$0x3FFE];
	[sflag:s23] =	ssyncadd.s32 $0xFFFFFFFF  }
0xa5: {  	s26 =	simm.s32 $execute0_lowered;
	[smem:$0x3FD2] =	sst s25  }
0xa6: {  	s5 =	sshll.u32 s26, $0x1;
	_ =	strace $0x80000046;
	[dreg:$0x1] =	wrdreg $0xFFFFFFFF  }
0xa7: {  	s28 =	simm.s32 $_size_execute0_lowered;
	s3 =	sadd.s32 s3, s5;
	[dreg:$0x0] =	wrdreg $0x0  }
0xa8: {  	s5 =	sshll.u32 s28, $0x1;
	[dreg:$0x2] =	wrdreg s3  }
0xa9: {  	[dreg:$0x3] =	wrdreg s5  }
0xaa: {  	[dreg:$0x4] =	wrdreg $0xC0  }
0xab: {  	_ =	task [dreg:s7], $0x5FFFF  }
0xac: {  	[dreg:$0x1] =	wrdreg $0xFFFFFFFF  }
0xad: {  	[dreg:$0x0] =	wrdreg $0x60  }
0xae: {  	[dreg:$0x2] =	wrdreg s24  }
0xaf: {  	[dreg:$0x3] =	wrdreg s2  }
0xb0: {  	[dreg:$0x4] =	wrdreg $0x9  }
0xb1: {  	_ =	task.clear_ibuf [dreg:s7], $0x5FFFF;
	_ =	strace $0x90000046  }
0xb2: {  	s29 =	simm.s32 $0x9;
	_ =	strace $0x80000048  }
0xb3: {  	_ =	swait.ge [sflag:s29], $0x1  }
0xb4: {  	[sflag:s29] =	ssyncadd.s32 $0xFFFFFFFF  }
0xb5: {  	_ =	strace $0x90000048  }
0xb6: {  	_ =	sfence  }
0xb7: {  	s30 =	sld [smem:$0x0];
	_ =	sdelay $0x2  }
0xb8: {  	s31 =	sshll.u32 s1, $0xD;
	s1 =	sshrl.u32 s1, $0x2  }
0xb9: {  	s3 =	sand.u32 $0x4000, s31;
	s1 =	sadd.s32 s1, s30  }
0xba: {  	s0 =	sor.u32 s3, s0;
	s1 =	sshll.u32 s1, $0x11  }
0xbb: {  	s0 =	sor.u32 s1, s0  }
0xbc: {  	s0 =	sadd.s32 $0x8F2B, s0  }
0xbd: {  	[sflag:s0] =	ssyncadd.remote.s32 $0x1  }
0xbe: {  	_ =	sfence.sel $0xFFFF  }
0xbf: {  	[dreg:$0x0] =	wrdreg $0xFFFFFFFF;
	(pc) =	sbr.abs _section_cstart, $3  }
0xc0: {  	[dreg:$0x1] =	wrdreg $0xFFFFFFFF  }
0xc1: {  	_ =	task.clear_ibuf [dreg:s7], $0x2FFFF;
	_ =	strace $0x9FFFFFFF  }
0xc2: {  	(tm) =	ssettm $0x7FFFFFFF  }
0xc3: {  	_ =	shalt  }
tec
execute0_lowered:
.L_overlay_start_1:
0x0: {  	(tag) =	ssettag $0x1  }
0x1: {  	s1 =	srdreg.scid  }
0x2: {  	s0 =	stileid.u32;
	s4 =	rddreg [dreg:$0x0]  }
0x3: {  	s5 =	rddreg [dreg:$0x1];
	s9 =	simm.s32 $0x6400;
	s10 =	simm.s32 $0x7D00  }
0x4: {  	s11 =	simm.s32 $0x190;
	s12 =	simm.s32 $0x9600;
	s13 =	simm.s32 $0x258  }
0x5: {  	s14 =	simm.s32 $0xAF00;
	s15 =	simm.s32 $0x1;
	s16 =	simm.s32 $0xC800  }
0x6: {  	s17 =	simm.s32 $0x2;
	s18 =	simm.s32 $0x3;
	s19 =	simm.s32 $0x4  }
0x7: {  	s20 =	simm.s32 $0x0;
	s3 =	sand.u32 $0x1, s1;
	s30 =	sshll.u32 s0, $0x8  }
0x8: {  	s1 =	rddreg [dreg:$0x2];
	s2 =	sshll.u32 s3, $0x7;
	s8 =	ssub.s32 $0x2, s3  }
0x9: {  	s3 =	sadd.s32 $0x600, s4;
	s6 =	sor.u32 s2, s30;
	s2 =	simm.s32 $0x0  }
0xa: {  	v0 =	vlaneseq.u32;
	s31 =	sshrl.u32 s8, $0x1;
	s7 =	smul.u32 $0x19, s6;
	[smem:$0x7FF] =	sst s2  }
0xb: {  	v0 =	vmul.u32 $0x2, v0;
	s6 =	sshll.u32 s6, $0x3;
	s8 =	ssub.s32 s8, s31;
	_ =	strace $0x80000047  }
0xc: {  	s5 =	sadd.s32 s5, s6;
	s6 =	smax.u32 s8, $0x1;
	s7 =	sadd.s32 s7, s4  }
0xd: {  	v1 =	vor.u32 $0x1, v0;
	v2 =	vor.u32 $0x20, v0;
	v3 =	vor.u32 $0x21, v0;
	s8 =	simm.s32 $0xC8;
	s4 =	sadd.s32 $0x62200, s7;
	s7 =	simm.s32 $0x5  }
.LBB2_1:
0xe: {  	[tilespmem:s2], [sflag:$0x5] =	stream.linear.gather [hbm4b:s4+s2], $0x6400, $0x38;
	[tilespmem:$0xE800] =	vst v63  }
0xf: {  	_ =	swait.ge [sflag:s7], $0x6400  }
0x10: {  	[sflag:s7] =	ssyncset.done $0x0  }
0x11: {  	[sflag:s7] =	ssyncadd.s32 $0xFFFF9C00  }
0x12: {  	[tilespmem:s9], [sflag:$0x1] =	stream.indirect.gather [hbm4b:s3+s8], $0x20, s2, s8, $0xb8;
	[tilespmem:$0xE800] =	vst v63  }
0x13: {  	_ = 	snop  }
0x14: {  	[tilespmem:s10], [sflag:$0x2] =	stream.indirect.gather [hbm4b:s3+s8], $0x20, s8, s8, $0xb8;
	[tilespmem:$0xE800] =	vst v63  }
0x15: {  	_ = 	snop  }
0x16: {  	[tilespmem:s12], [sflag:$0x3] =	stream.indirect.gather [hbm4b:s3+s8], $0x20, s11, s8, $0xb8;
	[tilespmem:$0xE800] =	vst v63  }
0x17: {  	s21 =	simm.s32 $0x0  }
0x18: {  	[tilespmem:s14], [sflag:$0x4] =	stream.indirect.gather [hbm4b:s3+s8], $0x20, s13, s8, $0xb8;
	[tilespmem:$0xE800] =	vst v63  }
.LBB2_2:
0x19: {  	_ =	swait.ge [sflag:s15], $0x1900  }
0x1a: {  	[sflag:s15] =	ssyncset.done $0x0  }
0x1b: {  	s23 =	simm.s32 $0x0;
	[sflag:s15] =	ssyncadd.s32 $0xFFFFE700  }
0x1c: {  	v4 =	vld [tilespmem:s23+$0x6410]  }
0x1d: {  	v5 =	vld [tilespmem:s23+$0x6430]  }
0x1e: {  	v6 =	vld [tilespmem:s23+$0x6450]  }
0x1f: {  	v7 =	vld [tilespmem:s23+$0x6470]  }
0x20: {  	v8 =	vld [tilespmem:s23+$0x6490]  }
0x21: {  	v9 =	vld [tilespmem:s23+$0x64B0]  }
0x22: {  	v10 =	vld [tilespmem:s23+$0x64D0]  }
0x23: {  	v11 =	vld [tilespmem:s23+$0x64F0]  }
0x24: {  	v12 =	vld [tilespmem:s23+$0x6400]  }
0x25: {  	v13 =	vld [tilespmem:s23+$0x6420]  }
0x26: {  	v14 =	vld [tilespmem:s23+$0x6440]  }
0x27: {  	v15 =	vld [tilespmem:s23+$0x6460]  }
0x28: {  	v17 =	vld [tilespmem:s23+$0x64C0]  }
0x29: {  	v18 =	vld [tilespmem:s23+$0x64E0];
	v4 =	vadd.bf16 v5, v4;
	v5 =	vadd.bf16 v7, v6  }
0x2a: {  	v16 =	vld [tilespmem:s23+$0x6480];
	v7 =	vadd.bf16 v9, v8;
	v8 =	vadd.bf16 v11, v10  }
0x2b: {  	s22 =	simm.s32 $0x100;
	v6 =	vld [tilespmem:s23+$0x64A0]  }
0x2c: {  	v9 =	vld [tilespmem:s22+$0x6430];
	v4 =	vadd.bf16 v5, v4;
	v5 =	vadd.bf16 v8, v7  }
0x2d: {  	v10 =	vld [tilespmem:s22+$0x6450]  }
0x2e: {  	v11 =	vld [tilespmem:s22+$0x6470];
	v17 =	vadd.bf16 v18, v17;
	v4 =	vadd.bf16 v5, v4  }
0x2f: {  	v8 =	vld [tilespmem:s22+$0x6410];
	v7 =	vadd.bf16 v13, v12;
	v13 =	vadd.bf16 v15, v14  }
0x30: {  	v12 =	vld [tilespmem:s22+$0x6490];
	v5 =	vimm.f32 $0.0e+00;
	v16 =	vadd.bf16 v6, v16;
	v6 =	vunpack.i.u.bf16.f32 v4  }
0x31: {  	v15 =	vld [tilespmem:s22+$0x64D0];
	v14 =	vadd.bf16 v13, v7;
	v7 =	vunpack.i.l.bf16.f32 v4;
	v4 =	vadd.f32 v6, v5  }
0x32: {  	s23 =	simm.s32 $0x800;
	v13 =	vld [tilespmem:s22+$0x64B0];
	v6 =	vadd.f32 v7, v5;
	v16 =	vadd.bf16 v17, v16;
	v7 =	vimm.f32 $0.0e+00  }
.LBB2_3:
0x33: {  	p0 =	sne.s32 s23, $0x6000;
	v17 =	vld [tilespmem:s22+$0x64F0]  }
0x34: {  	v18 =	vld [tilespmem:s22+$0x6400];
	v14 =	vadd.bf16 v16, v14  }
0x35: {  	v16 =	vld [tilespmem:s22+$0x6420]  }
0x36: {  	v19 =	vld [tilespmem:s22+$0x6440];
	v20 =	vunpack.i.u.bf16.f32 v14;
	v14 =	vunpack.i.l.bf16.f32 v14  }
0x37: {  	v8 =	vadd.bf16 v9, v8;
	v9 =	vadd.bf16 v11, v10;
	v21 =	vld [tilespmem:s22+$0x6460]  }
0x38: {  	v10 =	vadd.bf16 v13, v12;
	v11 =	vld [tilespmem:s22+$0x6480];
	v12 =	vadd.bf16 v17, v15  }
0x39: {  	v5 =	vadd.f32 v14, v5;
	v7 =	vadd.f32 v20, v7;
	v13 =	vld [tilespmem:s22+$0x64A0]  }
0x3a: {  	v9 =	vadd.bf16 v9, v8;
	v15 =	vld [tilespmem:s22+$0x64C0];
	v10 =	vadd.bf16 v12, v10  }
0x3b: {  	v12 =	vadd.bf16 v16, v18;
	v17 =	vld [tilespmem:s22+$0x64E0];
	s22 =	sshra.s32 s23, $0x2  }
0x3c: {  	v8 =	vld [tilespmem:s22+$0x6410];
	v14 =	vadd.bf16 v21, v19;
	v16 =	vadd.bf16 v10, v9  }
0x3d: {  	v9 =	vld [tilespmem:s22+$0x6430]  }
.Ltmp0:
0x3e: {  	v10 =	vld [tilespmem:s22+$0x6450];
	v18 =	vadd.bf16 v13, v11;
	v14 =	vadd.bf16 v14, v12;
	v12 =	vunpack.i.u.bf16.f32 v16;
	(pc) =	sbr.rel @p0 .LBB2_3-.Ltmp0, $4  }
0x3f: {  	v13 =	vunpack.i.l.bf16.f32 v16;
	v11 =	vld [tilespmem:s22+$0x6470];
	v4 =	vadd.f32 v12, v4  }
0x40: {  	v6 =	vadd.f32 v13, v6;
	v12 =	vld [tilespmem:s22+$0x6490];
	v16 =	vadd.bf16 v17, v15  }
0x41: {  	v13 =	vld [tilespmem:s22+$0x64B0]  }
0x42: {  	s23 =	sadd.s32 $0x400, s23;
	v15 =	vld [tilespmem:s22+$0x64D0];
	v16 =	vadd.bf16 v16, v18  }
0x43: {  	v17 =	vld [tilespmem:s22+$0x64F0]  }
0x44: {  	v18 =	vld [tilespmem:s22+$0x6400]  }
0x45: {  	v19 =	vld [tilespmem:s22+$0x6420]  }
0x46: {  	v20 =	vld [tilespmem:s22+$0x6440]  }
0x47: {  	v21 =	vld [tilespmem:s22+$0x6460]  }
0x48: {  	v22 =	vld [tilespmem:s22+$0x6480]  }
0x49: {  	v23 =	vld [tilespmem:s22+$0x64A0]  }
0x4a: {  	v24 =	vld [tilespmem:s22+$0x64C0]  }
0x4b: {  	v25 =	vld [tilespmem:s22+$0x64E0]  }
0x4c: {  	v8 =	vadd.bf16 v9, v8  }
0x4d: {  	v14 =	vadd.bf16 v16, v14;
	v9 =	vadd.bf16 v11, v10  }
0x4e: {  	v10 =	vadd.bf16 v13, v12;
	v11 =	vadd.bf16 v17, v15  }
0x4f: {  	v12 =	vadd.bf16 v19, v18;
	v13 =	vadd.bf16 v21, v20  }
0x50: {  	v15 =	vadd.bf16 v23, v22;
	v16 =	vadd.bf16 v25, v24  }
0x51: {  	v8 =	vadd.bf16 v9, v8;
	v9 =	vadd.bf16 v11, v10  }
0x52: {  	v10 =	vadd.bf16 v13, v12;
	v11 =	vadd.bf16 v16, v15  }
0x53: {  	v12 =	vunpack.i.u.bf16.f32 v14  }
0x54: {  	v13 =	vunpack.i.l.bf16.f32 v14;
	v8 =	vadd.bf16 v9, v8;
	v9 =	vadd.bf16 v11, v10  }
0x55: {  	s23 =	sshll.u32 s21, $0x8;
	v5 =	vadd.f32 v13, v5;
	v7 =	vadd.f32 v12, v7  }
0x56: {  	v12 =	vor.u32 s23, v0;
	v10 =	vunpack.i.u.bf16.f32 v8;
	v11 =	vunpack.i.l.bf16.f32 v9  }
0x57: {  	v9 =	vunpack.i.u.bf16.f32 v9;
	v5 =	vadd.f32 v11, v5;
	v11 =	vor.u32 s23, v1  }
0x58: {  	v8 =	vunpack.i.l.bf16.f32 v8;
	v7 =	vadd.f32 v9, v7;
	v9 =	vor.u32 s23, v2  }
0x59: {  	s22 =	sshll.u32 s21, $0x2;
	v6 =	vadd.f32 v8, v6;
	v8 =	vor.u32 s23, v3;
	v5 =	vmul.f32 $4.999999890e-03, v5  }
0x5a: {  	s31 =	smin.u32 s22, $0x7B;
	v4 =	vadd.f32 v10, v4;
	v7 =	vmul.f32 $4.999999890e-03, v7  }
0x5b: {  	s23 =	smul.u32 $0x320, s31;
	[tilespmem:v12+s16+$0x0] =	vst.idx.msk $0xffff, v5;
	v5 =	vmul.f32 $4.999999890e-03, v6  }
0x5c: {  	v4 =	vmul.f32 $4.999999890e-03, v4;
	[tilespmem:v11+s16+$0x0] =	vst.idx.msk $0xffff, v7  }
0x5d: {  	s23 =	sshrl.u32 s23, $0x2;
	[tilespmem:v9+s16+$0x0] =	vst.idx.msk $0xffff, v5  }
0x5e: {  	s23 =	sadd.s32 $0x320, s23;
	[tilespmem:v8+s16+$0x0] =	vst.idx.msk $0xffff, v4  }
0x5f: {  	[tilespmem:s9], [sflag:$0x1] =	stream.indirect.gather [hbm4b:s3+s8], $0x20, s23, s8, $0xb8;
	[tilespmem:$0xE800] =	vst v63  }
0x60: {  	_ =	swait.ge [sflag:s17], $0x1900  }
0x61: {  	[sflag:s17] =	ssyncset.done $0x0  }
0x62: {  	s24 =	simm.s32 $0x0;
	[sflag:s17] =	ssyncadd.s32 $0xFFFFE700  }
0x63: {  	v4 =	vld [tilespmem:s24+$0x7D10]  }
0x64: {  	v5 =	vld [tilespmem:s24+$0x7D30]  }
0x65: {  	v6 =	vld [tilespmem:s24+$0x7D50]  }
0x66: {  	v7 =	vld [tilespmem:s24+$0x7D70]  }
0x67: {  	v8 =	vld [tilespmem:s24+$0x7D90]  }
0x68: {  	v9 =	vld [tilespmem:s24+$0x7DB0]  }
0x69: {  	v10 =	vld [tilespmem:s24+$0x7DD0]  }
0x6a: {  	v11 =	vld [tilespmem:s24+$0x7DF0]  }
0x6b: {  	v12 =	vld [tilespmem:s24+$0x7D00]  }
0x6c: {  	v13 =	vld [tilespmem:s24+$0x7D20]  }
0x6d: {  	v14 =	vld [tilespmem:s24+$0x7D40]  }
0x6e: {  	v15 =	vld [tilespmem:s24+$0x7D60]  }
0x6f: {  	v17 =	vld [tilespmem:s24+$0x7DC0]  }
0x70: {  	v18 =	vld [tilespmem:s24+$0x7DE0];
	v4 =	vadd.bf16 v5, v4;
	v5 =	vadd.bf16 v7, v6  }
0x71: {  	v16 =	vld [tilespmem:s24+$0x7D80];
	v7 =	vadd.bf16 v9, v8;
	v8 =	vadd.bf16 v11, v10  }
0x72: {  	s23 =	simm.s32 $0x100;
	v6 =	vld [tilespmem:s24+$0x7DA0]  }
0x73: {  	v9 =	vld [tilespmem:s23+$0x7D30];
	v4 =	vadd.bf16 v5, v4;
	v5 =	vadd.bf16 v8, v7  }
0x74: {  	v10 =	vld [tilespmem:s23+$0x7D50]  }
0x75: {  	v11 =	vld [tilespmem:s23+$0x7D70];
	v17 =	vadd.bf16 v18, v17;
	v4 =	vadd.bf16 v5, v4  }
0x76: {  	v8 =	vld [tilespmem:s23+$0x7D10];
	v7 =	vadd.bf16 v13, v12;
	v13 =	vadd.bf16 v15, v14  }
0x77: {  	v12 =	vld [tilespmem:s23+$0x7D90];
	v5 =	vimm.f32 $0.0e+00;
	v16 =	vadd.bf16 v6, v16;
	v6 =	vunpack.i.u.bf16.f32 v4  }
0x78: {  	v15 =	vld [tilespmem:s23+$0x7DD0];
	v14 =	vadd.bf16 v13, v7;
	v7 =	vunpack.i.l.bf16.f32 v4;
	v4 =	vadd.f32 v6, v5  }
0x79: {  	s24 =	simm.s32 $0x800;
	v13 =	vld [tilespmem:s23+$0x7DB0];
	v6 =	vadd.f32 v7, v5;
	v16 =	vadd.bf16 v17, v16;
	v7 =	vimm.f32 $0.0e+00  }
.LBB2_5:
0x7a: {  	p0 =	sne.s32 s24, $0x6000;
	v17 =	vld [tilespmem:s23+$0x7DF0]  }
0x7b: {  	v18 =	vld [tilespmem:s23+$0x7D00];
	v14 =	vadd.bf16 v16, v14  }
0x7c: {  	v16 =	vld [tilespmem:s23+$0x7D20]  }
0x7d: {  	v19 =	vld [tilespmem:s23+$0x7D40];
	v20 =	vunpack.i.u.bf16.f32 v14;
	v14 =	vunpack.i.l.bf16.f32 v14  }
0x7e: {  	v8 =	vadd.bf16 v9, v8;
	v9 =	vadd.bf16 v11, v10;
	v21 =	vld [tilespmem:s23+$0x7D60]  }
0x7f: {  	v10 =	vadd.bf16 v13, v12;
	v11 =	vld [tilespmem:s23+$0x7D80];
	v12 =	vadd.bf16 v17, v15  }
0x80: {  	v5 =	vadd.f32 v14, v5;
	v7 =	vadd.f32 v20, v7;
	v13 =	vld [tilespmem:s23+$0x7DA0]  }
0x81: {  	v9 =	vadd.bf16 v9, v8;
	v15 =	vld [tilespmem:s23+$0x7DC0];
	v10 =	vadd.bf16 v12, v10  }
0x82: {  	v12 =	vadd.bf16 v16, v18;
	v17 =	vld [tilespmem:s23+$0x7DE0];
	s23 =	sshra.s32 s24, $0x2  }
0x83: {  	v8 =	vld [tilespmem:s23+$0x7D10];
	v14 =	vadd.bf16 v21, v19;
	v16 =	vadd.bf16 v10, v9  }
0x84: {  	v9 =	vld [tilespmem:s23+$0x7D30]  }
.Ltmp1:
0x85: {  	v10 =	vld [tilespmem:s23+$0x7D50];
	v18 =	vadd.bf16 v13, v11;
	v14 =	vadd.bf16 v14, v12;
	v12 =	vunpack.i.u.bf16.f32 v16;
	(pc) =	sbr.rel @p0 .LBB2_5-.Ltmp1, $4  }
0x86: {  	v13 =	vunpack.i.l.bf16.f32 v16;
	v11 =	vld [tilespmem:s23+$0x7D70];
	v4 =	vadd.f32 v12, v4  }
0x87: {  	v6 =	vadd.f32 v13, v6;
	v12 =	vld [tilespmem:s23+$0x7D90];
	v16 =	vadd.bf16 v17, v15  }
0x88: {  	v13 =	vld [tilespmem:s23+$0x7DB0]  }
0x89: {  	s24 =	sadd.s32 $0x400, s24;
	v15 =	vld [tilespmem:s23+$0x7DD0];
	v16 =	vadd.bf16 v16, v18  }
0x8a: {  	v17 =	vld [tilespmem:s23+$0x7DF0]  }
0x8b: {  	v18 =	vld [tilespmem:s23+$0x7D00]  }
0x8c: {  	v19 =	vld [tilespmem:s23+$0x7D20]  }
0x8d: {  	v20 =	vld [tilespmem:s23+$0x7D40]  }
0x8e: {  	v21 =	vld [tilespmem:s23+$0x7D60]  }
0x8f: {  	v22 =	vld [tilespmem:s23+$0x7D80]  }
0x90: {  	v23 =	vld [tilespmem:s23+$0x7DA0]  }
0x91: {  	v24 =	vld [tilespmem:s23+$0x7DC0]  }
0x92: {  	v25 =	vld [tilespmem:s23+$0x7DE0]  }
0x93: {  	v8 =	vadd.bf16 v9, v8  }
0x94: {  	v14 =	vadd.bf16 v16, v14;
	v9 =	vadd.bf16 v11, v10  }
0x95: {  	v10 =	vadd.bf16 v13, v12;
	v11 =	vadd.bf16 v17, v15  }
0x96: {  	v12 =	vadd.bf16 v19, v18;
	v13 =	vadd.bf16 v21, v20  }
0x97: {  	v15 =	vadd.bf16 v23, v22;
	v16 =	vadd.bf16 v25, v24  }
0x98: {  	v8 =	vadd.bf16 v9, v8;
	v9 =	vadd.bf16 v11, v10  }
0x99: {  	v10 =	vadd.bf16 v13, v12;
	v11 =	vadd.bf16 v16, v15  }
0x9a: {  	v12 =	vunpack.i.u.bf16.f32 v14  }
0x9b: {  	s23 =	sshll.u32 s22, $0x6;
	v13 =	vunpack.i.l.bf16.f32 v14;
	v8 =	vadd.bf16 v9, v8;
	v9 =	vadd.bf16 v11, v10  }
0x9c: {  	s24 =	sor.u32 $0x40, s23;
	v5 =	vadd.f32 v13, v5;
	v7 =	vadd.f32 v12, v7  }
0x9d: {  	v12 =	vor.u32 s24, v0;
	v10 =	vunpack.i.u.bf16.f32 v8;
	v11 =	vunpack.i.l.bf16.f32 v9  }
0x9e: {  	v9 =	vunpack.i.u.bf16.f32 v9;
	v5 =	vadd.f32 v11, v5;
	v11 =	vor.u32 s24, v1  }
0x9f: {  	v8 =	vunpack.i.l.bf16.f32 v8;
	v7 =	vadd.f32 v9, v7;
	v9 =	vor.u32 s24, v2  }
0xa0: {  	v6 =	vadd.f32 v8, v6;
	v8 =	vor.u32 s24, v3;
	v5 =	vmul.f32 $4.999999890e-03, v5  }
0xa1: {  	s31 =	smin.u32 s22, $0x7A;
	v4 =	vadd.f32 v10, v4;
	v7 =	vmul.f32 $4.999999890e-03, v7  }
0xa2: {  	s24 =	smul.u32 $0x320, s31;
	[tilespmem:v12+s16+$0x0] =	vst.idx.msk $0xffff, v5;
	v5 =	vmul.f32 $4.999999890e-03, v6  }
0xa3: {  	v4 =	vmul.f32 $4.999999890e-03, v4;
	[tilespmem:v11+s16+$0x0] =	vst.idx.msk $0xffff, v7  }
0xa4: {  	s24 =	sshrl.u32 s24, $0x2;
	[tilespmem:v9+s16+$0x0] =	vst.idx.msk $0xffff, v5  }
0xa5: {  	s24 =	sadd.s32 $0x3E8, s24;
	[tilespmem:v8+s16+$0x0] =	vst.idx.msk $0xffff, v4  }
0xa6: {  	[tilespmem:s10], [sflag:$0x2] =	stream.indirect.gather [hbm4b:s3+s8], $0x20, s24, s8, $0xb8;
	[tilespmem:$0xE800] =	vst v63  }
0xa7: {  	_ =	swait.ge [sflag:s18], $0x1900  }
0xa8: {  	[sflag:s18] =	ssyncset.done $0x0  }
0xa9: {  	s25 =	simm.s32 $0x0;
	[sflag:s18] =	ssyncadd.s32 $0xFFFFE700  }
0xaa: {  	v4 =	vld [tilespmem:s25+$0x9610]  }
0xab: {  	v5 =	vld [tilespmem:s25+$0x9630]  }
0xac: {  	v6 =	vld [tilespmem:s25+$0x9650]  }
0xad: {  	v7 =	vld [tilespmem:s25+$0x9670]  }
0xae: {  	v8 =	vld [tilespmem:s25+$0x9690]  }
0xaf: {  	v9 =	vld [tilespmem:s25+$0x96B0]  }
0xb0: {  	v10 =	vld [tilespmem:s25+$0x96D0]  }
0xb1: {  	v11 =	vld [tilespmem:s25+$0x96F0]  }
0xb2: {  	v12 =	vld [tilespmem:s25+$0x9600]  }
0xb3: {  	v13 =	vld [tilespmem:s25+$0x9620]  }
0xb4: {  	v14 =	vld [tilespmem:s25+$0x9640]  }
0xb5: {  	v15 =	vld [tilespmem:s25+$0x9660]  }
0xb6: {  	v17 =	vld [tilespmem:s25+$0x96C0]  }
0xb7: {  	v18 =	vld [tilespmem:s25+$0x96E0];
	v4 =	vadd.bf16 v5, v4;
	v5 =	vadd.bf16 v7, v6  }
0xb8: {  	v16 =	vld [tilespmem:s25+$0x9680];
	v7 =	vadd.bf16 v9, v8;
	v8 =	vadd.bf16 v11, v10  }
0xb9: {  	s24 =	simm.s32 $0x100;
	v6 =	vld [tilespmem:s25+$0x96A0]  }
0xba: {  	v9 =	vld [tilespmem:s24+$0x9630];
	v4 =	vadd.bf16 v5, v4;
	v5 =	vadd.bf16 v8, v7  }
0xbb: {  	v10 =	vld [tilespmem:s24+$0x9650]  }
0xbc: {  	v11 =	vld [tilespmem:s24+$0x9670];
	v17 =	vadd.bf16 v18, v17;
	v4 =	vadd.bf16 v5, v4  }
0xbd: {  	v8 =	vld [tilespmem:s24+$0x9610];
	v7 =	vadd.bf16 v13, v12;
	v13 =	vadd.bf16 v15, v14  }
0xbe: {  	v12 =	vld [tilespmem:s24+$0x9690];
	v5 =	vimm.f32 $0.0e+00;
	v16 =	vadd.bf16 v6, v16;
	v6 =	vunpack.i.u.bf16.f32 v4  }
0xbf: {  	v15 =	vld [tilespmem:s24+$0x96D0];
	v14 =	vadd.bf16 v13, v7;
	v7 =	vunpack.i.l.bf16.f32 v4;
	v4 =	vadd.f32 v6, v5  }
0xc0: {  	s25 =	simm.s32 $0x800;
	v13 =	vld [tilespmem:s24+$0x96B0];
	v6 =	vadd.f32 v7, v5;
	v16 =	vadd.bf16 v17, v16;
	v7 =	vimm.f32 $0.0e+00  }
.LBB2_7:
0xc1: {  	p0 =	sne.s32 s25, $0x6000;
	v17 =	vld [tilespmem:s24+$0x96F0]  }
0xc2: {  	v18 =	vld [tilespmem:s24+$0x9600];
	v14 =	vadd.bf16 v16, v14  }
0xc3: {  	v16 =	vld [tilespmem:s24+$0x9620]  }
0xc4: {  	v19 =	vld [tilespmem:s24+$0x9640];
	v20 =	vunpack.i.u.bf16.f32 v14;
	v14 =	vunpack.i.l.bf16.f32 v14  }
0xc5: {  	v8 =	vadd.bf16 v9, v8;
	v9 =	vadd.bf16 v11, v10;
	v21 =	vld [tilespmem:s24+$0x9660]  }
0xc6: {  	v10 =	vadd.bf16 v13, v12;
	v11 =	vld [tilespmem:s24+$0x9680];
	v12 =	vadd.bf16 v17, v15  }
0xc7: {  	v5 =	vadd.f32 v14, v5;
	v7 =	vadd.f32 v20, v7;
	v13 =	vld [tilespmem:s24+$0x96A0]  }
0xc8: {  	v9 =	vadd.bf16 v9, v8;
	v15 =	vld [tilespmem:s24+$0x96C0];
	v10 =	vadd.bf16 v12, v10  }
0xc9: {  	v12 =	vadd.bf16 v16, v18;
	v17 =	vld [tilespmem:s24+$0x96E0];
	s24 =	sshra.s32 s25, $0x2  }
0xca: {  	v8 =	vld [tilespmem:s24+$0x9610];
	v14 =	vadd.bf16 v21, v19;
	v16 =	vadd.bf16 v10, v9  }
0xcb: {  	v9 =	vld [tilespmem:s24+$0x9630]  }
.Ltmp2:
0xcc: {  	v10 =	vld [tilespmem:s24+$0x9650];
	v18 =	vadd.bf16 v13, v11;
	v14 =	vadd.bf16 v14, v12;
	v12 =	vunpack.i.u.bf16.f32 v16;
	(pc) =	sbr.rel @p0 .LBB2_7-.Ltmp2, $4  }
0xcd: {  	v13 =	vunpack.i.l.bf16.f32 v16;
	v11 =	vld [tilespmem:s24+$0x9670];
	v4 =	vadd.f32 v12, v4  }
0xce: {  	v6 =	vadd.f32 v13, v6;
	v12 =	vld [tilespmem:s24+$0x9690];
	v16 =	vadd.bf16 v17, v15  }
0xcf: {  	v13 =	vld [tilespmem:s24+$0x96B0]  }
0xd0: {  	s25 =	sadd.s32 $0x400, s25;
	v15 =	vld [tilespmem:s24+$0x96D0];
	v16 =	vadd.bf16 v16, v18  }
0xd1: {  	v17 =	vld [tilespmem:s24+$0x96F0]  }
0xd2: {  	v18 =	vld [tilespmem:s24+$0x9600]  }
0xd3: {  	v19 =	vld [tilespmem:s24+$0x9620]  }
0xd4: {  	v20 =	vld [tilespmem:s24+$0x9640]  }
0xd5: {  	v21 =	vld [tilespmem:s24+$0x9660]  }
0xd6: {  	v22 =	vld [tilespmem:s24+$0x9680]  }
0xd7: {  	v23 =	vld [tilespmem:s24+$0x96A0]  }
0xd8: {  	v24 =	vld [tilespmem:s24+$0x96C0]  }
0xd9: {  	v25 =	vld [tilespmem:s24+$0x96E0]  }
0xda: {  	v8 =	vadd.bf16 v9, v8  }
0xdb: {  	v14 =	vadd.bf16 v16, v14;
	v9 =	vadd.bf16 v11, v10  }
0xdc: {  	v10 =	vadd.bf16 v13, v12;
	v11 =	vadd.bf16 v17, v15  }
0xdd: {  	v12 =	vadd.bf16 v19, v18;
	v13 =	vadd.bf16 v21, v20  }
0xde: {  	v15 =	vadd.bf16 v23, v22;
	v16 =	vadd.bf16 v25, v24  }
0xdf: {  	v8 =	vadd.bf16 v9, v8;
	v9 =	vadd.bf16 v11, v10  }
0xe0: {  	v10 =	vadd.bf16 v13, v12;
	v11 =	vadd.bf16 v16, v15  }
0xe1: {  	v12 =	vunpack.i.u.bf16.f32 v14  }
0xe2: {  	v13 =	vunpack.i.l.bf16.f32 v14;
	v8 =	vadd.bf16 v9, v8;
	v9 =	vadd.bf16 v11, v10  }
0xe3: {  	s30 =	sor.u32 $0x80, s23;
	v5 =	vadd.f32 v13, v5;
	v7 =	vadd.f32 v12, v7  }
0xe4: {  	v12 =	vor.u32 s30, v0;
	v10 =	vunpack.i.u.bf16.f32 v8;
	v11 =	vunpack.i.l.bf16.f32 v9  }
0xe5: {  	v9 =	vunpack.i.u.bf16.f32 v9;
	v5 =	vadd.f32 v11, v5;
	v11 =	vor.u32 s30, v1  }
0xe6: {  	v8 =	vunpack.i.l.bf16.f32 v8;
	v7 =	vadd.f32 v9, v7;
	v9 =	vor.u32 s30, v2  }
0xe7: {  	v6 =	vadd.f32 v8, v6;
	v8 =	vor.u32 s30, v3;
	v5 =	vmul.f32 $4.999999890e-03, v5  }
0xe8: {  	s31 =	smin.u32 s22, $0x79;
	v4 =	vadd.f32 v10, v4;
	v7 =	vmul.f32 $4.999999890e-03, v7  }
0xe9: {  	s24 =	smul.u32 $0x320, s31;
	[tilespmem:v12+s16+$0x0] =	vst.idx.msk $0xffff, v5;
	v5 =	vmul.f32 $4.999999890e-03, v6  }
0xea: {  	v4 =	vmul.f32 $4.999999890e-03, v4;
	[tilespmem:v11+s16+$0x0] =	vst.idx.msk $0xffff, v7  }
0xeb: {  	s24 =	sshrl.u32 s24, $0x2;
	[tilespmem:v9+s16+$0x0] =	vst.idx.msk $0xffff, v5  }
0xec: {  	s24 =	sadd.s32 $0x4B0, s24;
	[tilespmem:v8+s16+$0x0] =	vst.idx.msk $0xffff, v4  }
0xed: {  	[tilespmem:s12], [sflag:$0x3] =	stream.indirect.gather [hbm4b:s3+s8], $0x20, s24, s8, $0xb8;
	[tilespmem:$0xE800] =	vst v63  }
0xee: {  	_ =	swait.ge [sflag:s19], $0x1900  }
0xef: {  	[sflag:s19] =	ssyncset.done $0x0  }
0xf0: {  	s25 =	simm.s32 $0x0;
	[sflag:s19] =	ssyncadd.s32 $0xFFFFE700  }
0xf1: {  	v4 =	vld [tilespmem:s25+$0xAF10]  }
0xf2: {  	v5 =	vld [tilespmem:s25+$0xAF30]  }
0xf3: {  	v6 =	vld [tilespmem:s25+$0xAF50]  }
0xf4: {  	v7 =	vld [tilespmem:s25+$0xAF70]  }
0xf5: {  	v8 =	vld [tilespmem:s25+$0xAF90]  }
0xf6: {  	v9 =	vld [tilespmem:s25+$0xAFB0]  }
0xf7: {  	v10 =	vld [tilespmem:s25+$0xAFD0]  }
0xf8: {  	v11 =	vld [tilespmem:s25+$0xAFF0]  }
0xf9: {  	v12 =	vld [tilespmem:s25+$0xAF00]  }
0xfa: {  	v13 =	vld [tilespmem:s25+$0xAF20]  }
0xfb: {  	v14 =	vld [tilespmem:s25+$0xAF40]  }
0xfc: {  	v15 =	vld [tilespmem:s25+$0xAF60]  }
0xfd: {  	v17 =	vld [tilespmem:s25+$0xAFC0]  }
0xfe: {  	v18 =	vld [tilespmem:s25+$0xAFE0];
	v4 =	vadd.bf16 v5, v4;
	v5 =	vadd.bf16 v7, v6  }
0xff: {  	v16 =	vld [tilespmem:s25+$0xAF80];
	v7 =	vadd.bf16 v9, v8;
	v8 =	vadd.bf16 v11, v10  }
0x100: {  	s24 =	simm.s32 $0x100;
	v6 =	vld [tilespmem:s25+$0xAFA0]  }
0x101: {  	v9 =	vld [tilespmem:s24+$0xAF30];
	v4 =	vadd.bf16 v5, v4;
	v5 =	vadd.bf16 v8, v7  }
0x102: {  	v10 =	vld [tilespmem:s24+$0xAF50]  }
0x103: {  	v11 =	vld [tilespmem:s24+$0xAF70];
	v17 =	vadd.bf16 v18, v17;
	v4 =	vadd.bf16 v5, v4  }
0x104: {  	v8 =	vld [tilespmem:s24+$0xAF10];
	v7 =	vadd.bf16 v13, v12;
	v13 =	vadd.bf16 v15, v14  }
0x105: {  	v12 =	vld [tilespmem:s24+$0xAF90];
	v5 =	vimm.f32 $0.0e+00;
	v16 =	vadd.bf16 v6, v16;
	v6 =	vunpack.i.u.bf16.f32 v4  }
0x106: {  	v15 =	vld [tilespmem:s24+$0xAFD0];
	v14 =	vadd.bf16 v13, v7;
	v7 =	vunpack.i.l.bf16.f32 v4;
	v4 =	vadd.f32 v6, v5  }
0x107: {  	s25 =	simm.s32 $0x800;
	v13 =	vld [tilespmem:s24+$0xAFB0];
	v6 =	vadd.f32 v7, v5;
	v16 =	vadd.bf16 v17, v16;
	v7 =	vimm.f32 $0.0e+00  }
.LBB2_9:
0x108: {  	p0 =	sne.s32 s25, $0x6000;
	v17 =	vld [tilespmem:s24+$0xAFF0]  }
0x109: {  	v18 =	vld [tilespmem:s24+$0xAF00];
	v14 =	vadd.bf16 v16, v14  }
0x10a: {  	v16 =	vld [tilespmem:s24+$0xAF20]  }
0x10b: {  	v19 =	vld [tilespmem:s24+$0xAF40];
	v20 =	vunpack.i.u.bf16.f32 v14;
	v14 =	vunpack.i.l.bf16.f32 v14  }
0x10c: {  	v8 =	vadd.bf16 v9, v8;
	v9 =	vadd.bf16 v11, v10;
	v21 =	vld [tilespmem:s24+$0xAF60]  }
0x10d: {  	v10 =	vadd.bf16 v13, v12;
	v11 =	vld [tilespmem:s24+$0xAF80];
	v12 =	vadd.bf16 v17, v15  }
0x10e: {  	v5 =	vadd.f32 v14, v5;
	v7 =	vadd.f32 v20, v7;
	v13 =	vld [tilespmem:s24+$0xAFA0]  }
0x10f: {  	v9 =	vadd.bf16 v9, v8;
	v15 =	vld [tilespmem:s24+$0xAFC0];
	v10 =	vadd.bf16 v12, v10  }
0x110: {  	v12 =	vadd.bf16 v16, v18;
	v17 =	vld [tilespmem:s24+$0xAFE0];
	s24 =	sshra.s32 s25, $0x2  }
0x111: {  	v8 =	vld [tilespmem:s24+$0xAF10];
	v14 =	vadd.bf16 v21, v19;
	v16 =	vadd.bf16 v10, v9  }
0x112: {  	v9 =	vld [tilespmem:s24+$0xAF30]  }
.Ltmp3:
0x113: {  	v10 =	vld [tilespmem:s24+$0xAF50];
	v18 =	vadd.bf16 v13, v11;
	v14 =	vadd.bf16 v14, v12;
	v12 =	vunpack.i.u.bf16.f32 v16;
	(pc) =	sbr.rel @p0 .LBB2_9-.Ltmp3, $4  }
0x114: {  	v13 =	vunpack.i.l.bf16.f32 v16;
	v11 =	vld [tilespmem:s24+$0xAF70];
	v4 =	vadd.f32 v12, v4  }
0x115: {  	v6 =	vadd.f32 v13, v6;
	v12 =	vld [tilespmem:s24+$0xAF90];
	v16 =	vadd.bf16 v17, v15  }
0x116: {  	v13 =	vld [tilespmem:s24+$0xAFB0]  }
0x117: {  	s25 =	sadd.s32 $0x400, s25;
	v15 =	vld [tilespmem:s24+$0xAFD0];
	v16 =	vadd.bf16 v16, v18  }
0x118: {  	v18 =	vld [tilespmem:s24+$0xAF00]  }
0x119: {  	v19 =	vld [tilespmem:s24+$0xAF20]  }
0x11a: {  	v20 =	vld [tilespmem:s24+$0xAF40]  }
0x11b: {  	v21 =	vld [tilespmem:s24+$0xAF60]  }
0x11c: {  	v22 =	vld [tilespmem:s24+$0xAF80]  }
0x11d: {  	v23 =	vld [tilespmem:s24+$0xAFA0]  }
0x11e: {  	v24 =	vld [tilespmem:s24+$0xAFC0]  }
0x11f: {  	v25 =	vld [tilespmem:s24+$0xAFE0]  }
0x120: {  	v17 =	vld [tilespmem:s24+$0xAFF0]  }
0x121: {  	v8 =	vadd.bf16 v9, v8  }
0x122: {  	v14 =	vadd.bf16 v16, v14;
	v46 =	vadd.bf16 v11, v10  }
0x123: {  	v49 =	vadd.bf16 v19, v18;
	v50 =	vadd.bf16 v21, v20  }
0x124: {  	v51 =	vadd.bf16 v23, v22;
	v52 =	vadd.bf16 v25, v24  }
0x125: {  	v47 =	vadd.bf16 v13, v12;
	v48 =	vadd.bf16 v17, v15  }
0x126: {  	s23 =	sor.u32 $0xC0, s23;
	v54 =	vadd.bf16 v50, v49;
	v55 =	vadd.bf16 v52, v51  }
0x127: {  	v60 =	vor.u32 s23, v0;
	v8 =	vadd.bf16 v46, v8  }
0x128: {  	v57 =	vunpack.i.l.bf16.f32 v14;
	v53 =	vadd.bf16 v48, v47;
	v58 =	vadd.bf16 v55, v54  }
0x129: {  	v61 =	vor.u32 s23, v1;
	v56 =	vunpack.i.u.bf16.f32 v14;
	v5 =	vadd.f32 v57, v5  }
0x12a: {  	v7 =	vadd.f32 v56, v7;
	v8 =	vadd.bf16 v53, v8;
	v11 =	vunpack.i.l.bf16.f32 v58  }
0x12b: {  	v62 =	vor.u32 s23, v2;
	v9 =	vunpack.i.u.bf16.f32 v58;
	v5 =	vadd.f32 v11, v5  }
0x12c: {  	v59 =	vunpack.i.u.bf16.f32 v8;
	v8 =	vunpack.i.l.bf16.f32 v8;
	v7 =	vadd.f32 v9, v7  }
0x12d: {  	s22 =	smin.u32 s22, $0x78;
	s21 =	sadd.s32 $0x1, s21;
	v63 =	vor.u32 s23, v3;
	v6 =	vadd.f32 v8, v6;
	v5 =	vmul.f32 $4.999999890e-03, v5  }
0x12e: {  	s22 =	smul.u32 $0x320, s22;
	p0 =	sne.s32 s21, $0x20;
	v4 =	vadd.f32 v59, v4;
	v7 =	vmul.f32 $4.999999890e-03, v7  }
.Ltmp4:
0x12f: {  	[tilespmem:v60+s16+$0x0] =	vst.idx.msk $0xffff, v5;
	v5 =	vmul.f32 $4.999999890e-03, v6;
	(pc) =	sbr.rel @p0 .LBB2_2-.Ltmp4, $4  }
0x130: {  	v4 =	vmul.f32 $4.999999890e-03, v4;
	[tilespmem:v61+s16+$0x0] =	vst.idx.msk $0xffff, v7  }
0x131: {  	s22 =	sshrl.u32 s22, $0x2;
	[tilespmem:v62+s16+$0x0] =	vst.idx.msk $0xffff, v5  }
0x132: {  	s22 =	sadd.s32 $0x578, s22;
	[tilespmem:v63+s16+$0x0] =	vst.idx.msk $0xffff, v4  }
0x133: {  	[tilespmem:s14], [sflag:$0x4] =	stream.indirect.gather [hbm4b:s3+s8], $0x20, s22, s8, $0xb8;
	[tilespmem:$0xE800] =	vst v63  }
0x134: {  	_ =	swait.ge [sflag:s15], $0x1900  }
0x135: {  	[sflag:s15] =	ssyncset.done $0x0  }
0x136: {  	[sflag:s15] =	ssyncadd.s32 $0xFFFFE700  }
0x137: {  	_ =	swait.ge [sflag:s17], $0x1900  }
0x138: {  	[sflag:s17] =	ssyncset.done $0x0  }
0x139: {  	[sflag:s17] =	ssyncadd.s32 $0xFFFFE700  }
0x13a: {  	_ =	swait.ge [sflag:s18], $0x1900  }
0x13b: {  	[sflag:s18] =	ssyncset.done $0x0  }
0x13c: {  	[sflag:s18] =	ssyncadd.s32 $0xFFFFE700  }
0x13d: {  	s20 =	sadd.s32 $0x1, s20;
	_ =	swait.ge [sflag:s19], $0x1900  }
0x13e: {  	p0 =	sne.s32 s20, s6;
	[sflag:s19] =	ssyncset.done $0x0  }
.Ltmp5:
0x13f: {  	[sflag:s19] =	ssyncadd.s32 $0xFFFFE700;
	(pc) =	sbr.rel @p0 .LBB2_1-.Ltmp5, $4  }
0x140: {  	[hbm4b:s5+s2] =	stream.linear.scatter [tilespmem:s16], [sflag:$0x5], $0x2000, $0x38;
	[tilespmem:$0xE800] =	vst v63  }
0x141: {  	_ =	swait.ge [sflag:s7], $0x2000  }
0x142: {  	[sflag:s7] =	ssyncset.done $0x0  }
0x143: {  	[sflag:s7] =	ssyncadd.s32 $0xFFFFE000  }
0x144: {  	_ =	sfence.sel $0x180000  }
0x145: {  	[bflag:$0x0] =	sbarrier.arrive $0xFFFF  }
0x146: {  	p0 =	sne.s32 s0, $0x0;
	_ =	strace $0x90000047  }
0x147: {  	s0 =	sadd.s32 @!p0 $0x100000, s1;
	[bflag:$0x2] =	sbarrier.arrive $0xFFFF  }
0x148: {  	[sflag:s0] =	ssyncadd.tile.s32 @!p0 $0x1;
	_ =	shalt  }
.Lfunc_end2:
_tile_overlayer_lowered:
.L_overlay_start_2:
0x149: {  	(tag) =	ssettag $0x2  }
0x14a: {  	s0 =	rddreg [dreg:$0x0];
	s2 =	stileid.u32  }
0x14b: {  	s1 =	rddreg [dreg:$0x1];
	p0 =	sne.s32 s2, $0x0  }
0x14c: {  	s3 =	rddreg [dreg:$0x2];
	[bflag:$0x3] =	sbarrier.arrive $0xFFFF;
	s2 =	simm.s32 @!p0 $0x1C05  }
0x14d: {  	[timem:s3], [sflag:s2] =	dma.local @!p0 [hbm:s0], s1  }
0x14e: {  	s0 =	simm.s32 @!p0 $0x5  }
0x14f: {  	_ =	swait.ge @!p0 [sflag:s0], s1  }
0x150: {  	s1 =	ssub.s32 @!p0 $0x0, s1;
	[sflag:s0] =	ssyncset.done @!p0 $0x0  }
0x151: {  	[sflag:s0] =	ssyncadd.s32 @!p0 s1  }
0x152: {  	[bflag:$0x3] =	sbarrier.arrive $0xFFFF  }
0x153: {  	_ =	shalt  }

</sc_bundles>
